<compile_context>
chip_gen: v7x
topology: tpu7x:2x2x1
jax: 0.10.2.dev20260603
libtpu: 0.0.44.dev20260713+nightly
codegen_flags: <defaults>
</compile_context>

<pallas_src>
import functools

import jax
import jax.numpy as jnp
from jax import lax
from jax.experimental import pallas as pl
from jax.experimental.pallas import tpu as pltpu
from jax.experimental.pallas import tpu_sc as plsc

BATCH = 16384
D = 64
NUM_CORES = 2
NUM_SUBCORES = 16
NUM_WORKERS = NUM_CORES * NUM_SUBCORES
B_PER_W = BATCH // NUM_WORKERS
LANES = 16
WIN = 128
N_SUB = B_PER_W // 2

_mesh = plsc.VectorSubcoreMesh(core_axis_name="c", subcore_axis_name="s")


@functools.partial(
    pl.kernel,
    mesh=_mesh,
    out_type=jax.ShapeDtypeStruct((BATCH,), jnp.float32),
    scratch_types=[
        pltpu.VMEM((B_PER_W + LANES,), jnp.int32),
        pltpu.VMEM((B_PER_W + LANES,), jnp.int32),
        pltpu.VMEM((D, 2 * WIN), jnp.float32),
        pltpu.VMEM((D, 2 * WIN), jnp.float32),
        pltpu.VMEM((D, 2 * WIN), jnp.float32),
        pltpu.VMEM((D, 2 * WIN), jnp.float32),
        pltpu.VMEM((D, 2 * WIN), jnp.float32),
        pltpu.VMEM((D, 2 * WIN), jnp.float32),
        pltpu.VMEM((LANES,), jnp.float32),
        pltpu.VMEM((B_PER_W,), jnp.float32),
        pltpu.SemaphoreType.DMA,
        pltpu.SemaphoreType.DMA,
        pltpu.SemaphoreType.DMA,
    ],
    compiler_params=pltpu.CompilerParams(
        needs_layout_passes=False, disable_bounds_checks=True),
)
def _sc_dot(uidx_hbm, midx_hbm, utT_hbm, mtT_hbm, out_hbm,
            uidx_v, midx_v, ubufA, mbufA, ubufB, mbufB, ubufC, mbufC,
            shuf, out_v, semA, semB, semC):
    wid = lax.axis_index("s") * NUM_CORES + lax.axis_index("c")
    base = wid * B_PER_W

    pltpu.sync_copy(uidx_hbm.at[wid], uidx_v.at[pl.ds(0, B_PER_W)])
    pltpu.sync_copy(midx_hbm.at[wid], midx_v.at[pl.ds(0, B_PER_W)])

    lane16 = lax.iota(jnp.int32, LANES)
    oct_id = lane16 & 7
    half_id = lane16 >> 3

    def idx_pair(s):
        uv = uidx_v[pl.ds(2 * s, LANES)]
        mv = midx_v[pl.ds(2 * s, LANES)]
        return uv[0], uv[1], mv[0], mv[1]

    def issue(s, ubuf, mbuf, sem):
        u0, u1, m0, m1 = idx_pair(s)
        cps = []
        for k, (u, m) in enumerate(((u0, m0), (u1, m1))):
            su = pl.multiple_of((u >> 7) << 7, WIN)
            sm = pl.multiple_of((m >> 7) << 7, WIN)
            cps.append(pltpu.async_copy(
                utT_hbm.at[pl.ds(0, D), pl.ds(su, WIN)],
                ubuf.at[pl.ds(0, D), pl.ds(k * WIN, WIN)], sem))
            cps.append(pltpu.async_copy(
                mtT_hbm.at[pl.ds(0, D), pl.ds(sm, WIN)],
                mbuf.at[pl.ds(0, D), pl.ds(k * WIN, WIN)], sem))
        return cps

    def compute(s, ubuf, mbuf, acc):
        acc = jnp.where((s & 7) == 0, jnp.zeros((LANES,), jnp.float32), acc)
        u0, u1, m0, m1 = idx_pair(s)
        ucol = (half_id << 7) + jnp.where(
            lane16 < 8, u0 & (WIN - 1), u1 & (WIN - 1))
        mcol = (half_id << 7) + jnp.where(
            lane16 < 8, m0 & (WIN - 1), m1 & (WIN - 1))
        acc2 = jnp.zeros((LANES,), jnp.float32)
        for d0 in range(0, D, 8):
            dvec = d0 + oct_id
            uv = plsc.load_gather(ubuf, [dvec, ucol])
            mv = plsc.load_gather(mbuf, [dvec, mcol])
            acc2 = acc2 + uv * mv
        for step in (1, 2, 4):
            shuf[...] = acc2
            acc2 = acc2 + plsc.load_gather(shuf, [lane16 ^ step])
        p0 = (s & 7) * 2
        acc = jnp.where(lane16 == p0, acc2[0], acc)
        acc = jnp.where(lane16 == p0 + 1, acc2[8], acc)
        out_v[pl.ds(pl.multiple_of((s >> 3) * LANES, LANES), LANES)] = acc
        return acc

    def body(i, acc):
        s0 = 3 * i
        cpsA = issue(s0, ubufA, mbufA, semA)
        cpsB = issue(s0 + 1, ubufB, mbufB, semB)
        cpsC = issue(s0 + 2, ubufC, mbufC, semC)
        for cp in cpsA:
            cp.wait()
        acc = compute(s0, ubufA, mbufA, acc)
        for cp in cpsB:
            cp.wait()
        acc = compute(s0 + 1, ubufB, mbufB, acc)
        for cp in cpsC:
            cp.wait()
        acc = compute(s0 + 2, ubufC, mbufC, acc)
        return acc

    accf = lax.fori_loop(0, N_SUB // 3, body,
                         jnp.zeros((LANES,), jnp.float32))
    last = N_SUB - (N_SUB % 3)
    for cp in issue(last, ubufA, mbufA, semA):
        cp.wait()
    compute(last, ubufA, mbufA, accf)

    pltpu.sync_copy(out_v, out_hbm.at[pl.ds(base, B_PER_W)])


def kernel(userIndices, movieIndices, user_table, movie_table):
    u = userIndices.astype(jnp.int32).reshape(NUM_WORKERS, B_PER_W)
    m = movieIndices.astype(jnp.int32).reshape(NUM_WORKERS, B_PER_W)
    return _sc_dot(u, m, user_table.T, movie_table.T)

# --- scband reference (transcript-rebuilt; emitter-appended) ---
"""Pipeline reference for scband-movie-rec-model-2791728742416 (READ-ONLY COPY).

The authoritative reference and input builder live on the scoring server;
editing this copy changes nothing except your own understanding.
"""

import jax, jax.numpy as jnp
import numpy as np

NUM_USERS = 1000000
NUM_MOVIES = 1000000
EMBED_DIM = 64
BATCH = 16384

def setup_inputs(seed: int = 0) -> dict:
    key = jax.random.key(seed)
    k1, k2, k3, k4 = jax.random.split(key, 4)
    userIndices = jax.random.randint(k1, (BATCH,), 0, NUM_USERS, dtype=jnp.int64 if jax.config.jax_enable_x64 else jnp.int32)
    movieIndices = jax.random.randint(k2, (BATCH,), 0, NUM_MOVIES, dtype=jnp.int64 if jax.config.jax_enable_x64 else jnp.int32)
    user_table = jax.random.normal(k3, (NUM_USERS, EMBED_DIM), dtype=jnp.float32)
    movie_table = jax.random.normal(k4, (NUM_MOVIES, EMBED_DIM), dtype=jnp.float32)
    return {"userIndices": userIndices, "movieIndices": movieIndices, "user_table": user_table, "movie_table": movie_table}

def reference(userIndices, movieIndices, user_table, movie_table):
    userEmbeds = jnp.take(user_table, userIndices, axis=0)
    movieEmbeds = jnp.take(movie_table, movieIndices, axis=0)
    return (userEmbeds * movieEmbeds).sum(axis=1)

if __name__ == "__main__":
    import jax
    _d = setup_inputs()
    print(jax.jit(kernel)(*tuple(_d.values())))

</pallas_src>

<mosaic_0001>
#map = affine_map<(d0, d1) -> (0, 0)>
#map1 = affine_map<(d0, d1) -> (0)>
module attributes {stable_mosaic.version = 14 : i64} {
  func.func @_sc_dot(%arg0: i32, %arg1: i32, %arg2: memref<32x512xi32, #tpu.memory_space<hbm>>, %arg3: memref<32x512xi32, #tpu.memory_space<hbm>>, %arg4: memref<64x1000000xf32, #tpu.memory_space<hbm>>, %arg5: memref<64x1000000xf32, #tpu.memory_space<hbm>>, %arg6: memref<16384xf32, #tpu.memory_space<hbm>>, %arg7: memref<528xi32, #tpu.memory_space<vmem>>, %arg8: memref<528xi32, #tpu.memory_space<vmem>>, %arg9: memref<64x256xf32, #tpu.memory_space<vmem>>, %arg10: memref<64x256xf32, #tpu.memory_space<vmem>>, %arg11: memref<64x256xf32, #tpu.memory_space<vmem>>, %arg12: memref<64x256xf32, #tpu.memory_space<vmem>>, %arg13: memref<64x256xf32, #tpu.memory_space<vmem>>, %arg14: memref<64x256xf32, #tpu.memory_space<vmem>>, %arg15: memref<16xf32, #tpu.memory_space<vmem>>, %arg16: memref<512xf32, #tpu.memory_space<vmem>>, %arg17: memref<!tpu.dma_semaphore, #tpu.memory_space<semaphore_mem>>, %arg18: memref<!tpu.dma_semaphore, #tpu.memory_space<semaphore_mem>>, %arg19: memref<!tpu.dma_semaphore, #tpu.memory_space<semaphore_mem>>) attributes {dimension_semantics = [#tpu.dimension_semantics<core_parallel>, #tpu.dimension_semantics<subcore_parallel>], iteration_bounds = array<i64: 2, 16>, scalar_prefetch = 0 : i64, scratch_operands = 13 : i64, tpu.core_type = #tpu.core_type<sc_vector_subcore>, window_params = [{transform_indices = #map}, {transform_indices = #map}, {transform_indices = #map}, {transform_indices = #map}, {transform_indices = #map1}]} {
    %mul3A = arith.constant 2 : i32
    %mul3A_0 = arith.muli %arg1, %mul3A : i32
    %add3A = arith.addi %mul3A_0, %arg0 : i32
    %mul3A_1 = arith.constant 512 : i32
    %mul3A_2 = arith.muli %add3A, %mul3A_1 : i32
    "tpu.region"() ({
      %run_scoped3A = tpu.sem_alloc : memref<!tpu.dma_semaphore, #tpu.memory_space<semaphore_mem>>
      %dma_start3A_252 = arith.constant 0 : i32
      %dma_start3A_253 = tpu.memref_slice %arg7[%dma_start3A_252] : memref<528xi32, #tpu.memory_space<vmem>> -> memref<512xi32, #tpu.memory_space<vmem>>
      %dma_start3A_254 = arith.constant 0 : i32
      %dma_start3A_255 = tpu.memref_slice %arg2[%add3A, %dma_start3A_254] : memref<32x512xi32, #tpu.memory_space<hbm>> -> memref<1x512xi32, #tpu.memory_space<hbm>>
      %dma_start3A_256 = tpu.memref_squeeze %dma_start3A_255 : memref<1x512xi32, #tpu.memory_space<hbm>> -> memref<512xi32, #tpu.memory_space<hbm>>
      %dma_start3A_257 = arith.constant 0 : i32
      %dma_start3A_258 = tpu.memref_slice %arg7[%dma_start3A_257] : memref<528xi32, #tpu.memory_space<vmem>> -> memref<512xi32, #tpu.memory_space<vmem>>
      %dma_start3A_259 = arith.constant 0 : i32
      %dma_start3A_260 = tpu.memref_slice %arg2[%add3A, %dma_start3A_259] : memref<32x512xi32, #tpu.memory_space<hbm>> -> memref<1x512xi32, #tpu.memory_space<hbm>>
      %dma_start3A_261 = tpu.memref_squeeze %dma_start3A_260 : memref<1x512xi32, #tpu.memory_space<hbm>> -> memref<512xi32, #tpu.memory_space<hbm>>
      tpu.enqueue_dma source(%dma_start3A_261 : memref<512xi32, #tpu.memory_space<hbm>>) target(%dma_start3A_258 : memref<512xi32, #tpu.memory_space<vmem>>) target_semaphore(%run_scoped3A : memref<!tpu.dma_semaphore, #tpu.memory_space<semaphore_mem>>)
      %dma_wait3A_262 = arith.constant 0 : i32
      %dma_wait3A_263 = tpu.memref_slice %arg7[%dma_wait3A_262] : memref<528xi32, #tpu.memory_space<vmem>> -> memref<512xi32, #tpu.memory_space<vmem>>
      %dma_wait3A_264 = arith.constant 0 : i32
      %dma_wait3A_265 = tpu.memref_slice %arg2[%add3A, %dma_wait3A_264] : memref<32x512xi32, #tpu.memory_space<hbm>> -> memref<1x512xi32, #tpu.memory_space<hbm>>
      %dma_wait3A_266 = tpu.memref_squeeze %dma_wait3A_265 : memref<1x512xi32, #tpu.memory_space<hbm>> -> memref<512xi32, #tpu.memory_space<hbm>>
      %dma_wait3A_267 = arith.constant 0 : i32
      %dma_wait3A_268 = tpu.memref_slice %arg7[%dma_wait3A_267] : memref<528xi32, #tpu.memory_space<vmem>> -> memref<512xi32, #tpu.memory_space<vmem>>
      %dma_wait3A_269 = arith.constant 0 : i32
      %dma_wait3A_270 = tpu.memref_slice %arg2[%add3A, %dma_wait3A_269] : memref<32x512xi32, #tpu.memory_space<hbm>> -> memref<1x512xi32, #tpu.memory_space<hbm>>
      %dma_wait3A_271 = tpu.memref_squeeze %dma_wait3A_270 : memref<1x512xi32, #tpu.memory_space<hbm>> -> memref<512xi32, #tpu.memory_space<hbm>>
      tpu.wait_dma2 semaphore(%run_scoped3A : memref<!tpu.dma_semaphore, #tpu.memory_space<semaphore_mem>>) src(%dma_wait3A_271 : memref<512xi32, #tpu.memory_space<hbm>>) dst(%dma_wait3A_268 : memref<512xi32, #tpu.memory_space<vmem>>)
      tpu.yield
    }) : () -> ()
    "tpu.region"() ({
      %run_scoped3A = tpu.sem_alloc : memref<!tpu.dma_semaphore, #tpu.memory_space<semaphore_mem>>
      %dma_start3A_252 = arith.constant 0 : i32
      %dma_start3A_253 = tpu.memref_slice %arg8[%dma_start3A_252] : memref<528xi32, #tpu.memory_space<vmem>> -> memref<512xi32, #tpu.memory_space<vmem>>
      %dma_start3A_254 = arith.constant 0 : i32
      %dma_start3A_255 = tpu.memref_slice %arg3[%add3A, %dma_start3A_254] : memref<32x512xi32, #tpu.memory_space<hbm>> -> memref<1x512xi32, #tpu.memory_space<hbm>>
      %dma_start3A_256 = tpu.memref_squeeze %dma_start3A_255 : memref<1x512xi32, #tpu.memory_space<hbm>> -> memref<512xi32, #tpu.memory_space<hbm>>
      %dma_start3A_257 = arith.constant 0 : i32
      %dma_start3A_258 = tpu.memref_slice %arg8[%dma_start3A_257] : memref<528xi32, #tpu.memory_space<vmem>> -> memref<512xi32, #tpu.memory_space<vmem>>
      %dma_start3A_259 = arith.constant 0 : i32
      %dma_start3A_260 = tpu.memref_slice %arg3[%add3A, %dma_start3A_259] : memref<32x512xi32, #tpu.memory_space<hbm>> -> memref<1x512xi32, #tpu.memory_space<hbm>>
      %dma_start3A_261 = tpu.memref_squeeze %dma_start3A_260 : memref<1x512xi32, #tpu.memory_space<hbm>> -> memref<512xi32, #tpu.memory_space<hbm>>
      tpu.enqueue_dma source(%dma_start3A_261 : memref<512xi32, #tpu.memory_space<hbm>>) target(%dma_start3A_258 : memref<512xi32, #tpu.memory_space<vmem>>) target_semaphore(%run_scoped3A : memref<!tpu.dma_semaphore, #tpu.memory_space<semaphore_mem>>)
      %dma_wait3A_262 = arith.constant 0 : i32
      %dma_wait3A_263 = tpu.memref_slice %arg8[%dma_wait3A_262] : memref<528xi32, #tpu.memory_space<vmem>> -> memref<512xi32, #tpu.memory_space<vmem>>
      %dma_wait3A_264 = arith.constant 0 : i32
      %dma_wait3A_265 = tpu.memref_slice %arg3[%add3A, %dma_wait3A_264] : memref<32x512xi32, #tpu.memory_space<hbm>> -> memref<1x512xi32, #tpu.memory_space<hbm>>
      %dma_wait3A_266 = tpu.memref_squeeze %dma_wait3A_265 : memref<1x512xi32, #tpu.memory_space<hbm>> -> memref<512xi32, #tpu.memory_space<hbm>>
      %dma_wait3A_267 = arith.constant 0 : i32
      %dma_wait3A_268 = tpu.memref_slice %arg8[%dma_wait3A_267] : memref<528xi32, #tpu.memory_space<vmem>> -> memref<512xi32, #tpu.memory_space<vmem>>
      %dma_wait3A_269 = arith.constant 0 : i32
      %dma_wait3A_270 = tpu.memref_slice %arg3[%add3A, %dma_wait3A_269] : memref<32x512xi32, #tpu.memory_space<hbm>> -> memref<1x512xi32, #tpu.memory_space<hbm>>
      %dma_wait3A_271 = tpu.memref_squeeze %dma_wait3A_270 : memref<1x512xi32, #tpu.memory_space<hbm>> -> memref<512xi32, #tpu.memory_space<hbm>>
      tpu.wait_dma2 semaphore(%run_scoped3A : memref<!tpu.dma_semaphore, #tpu.memory_space<semaphore_mem>>) src(%dma_wait3A_271 : memref<512xi32, #tpu.memory_space<hbm>>) dst(%dma_wait3A_268 : memref<512xi32, #tpu.memory_space<vmem>>)
      tpu.yield
    }) : () -> ()
    %iota3A = tpu.iota {dimensions = array<i32: 0>} : vector<16xi32>
    %and3A = arith.constant 7 : i32
    %and3A_3 = vector.broadcast %and3A : i32 to vector<16xi32>
    %and3A_4 = arith.andi %iota3A, %and3A_3 : vector<16xi32>
    %shift_right_arithmetic3A = arith.constant 3 : i32
    %shift_right_arithmetic3A_5 = vector.broadcast %shift_right_arithmetic3A : i32 to vector<16xi32>
    %shift_right_arithmetic3A_6 = arith.shrsi %iota3A, %shift_right_arithmetic3A_5 : vector<16xi32>
    %broadcast_in_dim3A = arith.constant 0.000000e+00 : f32
    %broadcast_in_dim3A_7 = vector.broadcast %broadcast_in_dim3A : f32 to vector<16xf32>
    %scan3A = arith.constant 0 : i32
    %scan3A_8 = arith.constant 85 : i32
    %scan3A_9 = arith.addi %scan3A, %scan3A_8 : i32
    %scan3A_10 = arith.constant 1 : i32
    %scan3A_11 = scf.for %scan3A_252 = %scan3A to %scan3A_9 step %scan3A_10 iter_args(%scan3A_253 = %broadcast_in_dim3A_7) -> (vector<16xf32>)  : i32 {
      %mul3A_254 = arith.constant 3 : i32
      %mul3A_255 = arith.muli %mul3A_254, %scan3A_252 : i32
      %mul3A_256 = arith.constant 2 : i32
      %mul3A_257 = arith.muli %mul3A_256, %mul3A_255 : i32
      %get3A_258 = arith.index_cast %mul3A_257 : i32 to index
      %get3A_259 = tpu.vector_load %arg7[%get3A_258] {strides = array<i32>} : memref<528xi32, #tpu.memory_space<vmem>>, vector<16xi32>,
      %mul3A_260 = arith.constant 2 : i32
      %mul3A_261 = arith.muli %mul3A_260, %mul3A_255 : i32
      %get3A_262 = arith.index_cast %mul3A_261 : i32 to index
      %get3A_263 = tpu.vector_load %arg8[%get3A_262] {strides = array<i32>} : memref<528xi32, #tpu.memory_space<vmem>>, vector<16xi32>,
      %slice3A_264 = vector.extract_strided_slice %get3A_259 {offsets = [0], sizes = [1], strides = [1]} : vector<16xi32> to vector<1xi32>
      %squeeze3A_265 = vector.extract %slice3A_264[0] : i32 from vector<1xi32>
      %slice3A_266 = vector.extract_strided_slice %get3A_259 {offsets = [1], sizes = [1], strides = [1]} : vector<16xi32> to vector<1xi32>
      %squeeze3A_267 = vector.extract %slice3A_266[0] : i32 from vector<1xi32>
      %slice3A_268 = vector.extract_strided_slice %get3A_263 {offsets = [0], sizes = [1], strides = [1]} : vector<16xi32> to vector<1xi32>
      %squeeze3A_269 = vector.extract %slice3A_268[0] : i32 from vector<1xi32>
      %slice3A_270 = vector.extract_strided_slice %get3A_263 {offsets = [1], sizes = [1], strides = [1]} : vector<16xi32> to vector<1xi32>
      %squeeze3A_271 = vector.extract %slice3A_270[0] : i32 from vector<1xi32>
      %shift_right_arithmetic3A_272 = arith.constant 7 : i32
      %shift_right_arithmetic3A_273 = arith.shrsi %squeeze3A_265, %shift_right_arithmetic3A_272 : i32
      %shift_left3A_274 = arith.constant 7 : i32
      %shift_left3A_275 = arith.shli %shift_right_arithmetic3A_273, %shift_left3A_274 : i32
      %multiple_of3A_276 = tpu.assume_multiple %shift_left3A_275, 128 : i32
      %shift_right_arithmetic3A_277 = arith.constant 7 : i32
      %shift_right_arithmetic3A_278 = arith.shrsi %squeeze3A_269, %shift_right_arithmetic3A_277 : i32
      %shift_left3A_279 = arith.constant 7 : i32
      %shift_left3A_280 = arith.shli %shift_right_arithmetic3A_278, %shift_left3A_279 : i32
      %multiple_of3A_281 = tpu.assume_multiple %shift_left3A_280, 128 : i32
      %dma_start3A_282 = arith.constant 0 : i32
      %dma_start3A_283 = arith.constant 0 : i32
      %dma_start3A_284 = tpu.memref_slice %arg9[%dma_start3A_282, %dma_start3A_283] : memref<64x256xf32, #tpu.memory_space<vmem>> -> memref<64x128xf32, #tpu.memory_space<vmem>>
      %dma_start3A_285 = arith.constant 0 : i32
      %dma_start3A_286 = tpu.memref_slice %arg4[%dma_start3A_285, %multiple_of3A_276] : memref<64x1000000xf32, #tpu.memory_space<hbm>> -> memref<64x128xf32, #tpu.memory_space<hbm>>
      %dma_start3A_287 = arith.constant 0 : i32
      %dma_start3A_288 = arith.constant 0 : i32
      %dma_start3A_289 = tpu.memref_slice %arg9[%dma_start3A_287, %dma_start3A_288] : memref<64x256xf32, #tpu.memory_space<vmem>> -> memref<64x128xf32, #tpu.memory_space<vmem>>
      %dma_start3A_290 = arith.constant 0 : i32
      %dma_start3A_291 = tpu.memref_slice %arg4[%dma_start3A_290, %multiple_of3A_276] : memref<64x1000000xf32, #tpu.memory_space<hbm>> -> memref<64x128xf32, #tpu.memory_space<hbm>>
      tpu.enqueue_dma source(%dma_start3A_291 : memref<64x128xf32, #tpu.memory_space<hbm>>) target(%dma_start3A_289 : memref<64x128xf32, #tpu.memory_space<vmem>>) target_semaphore(%arg17 : memref<!tpu.dma_semaphore, #tpu.memory_space<semaphore_mem>>)
      %dma_start3A_292 = arith.constant 0 : i32
      %dma_start3A_293 = arith.constant 0 : i32
      %dma_start3A_294 = tpu.memref_slice %arg10[%dma_start3A_292, %dma_start3A_293] : memref<64x256xf32, #tpu.memory_space<vmem>> -> memref<64x128xf32, #tpu.memory_space<vmem>>
      %dma_start3A_295 = arith.constant 0 : i32
      %dma_start3A_296 = tpu.memref_slice %arg5[%dma_start3A_295, %multiple_of3A_281] : memref<64x1000000xf32, #tpu.memory_space<hbm>> -> memref<64x128xf32, #tpu.memory_space<hbm>>
      %dma_start3A_297 = arith.constant 0 : i32
      %dma_start3A_298 = arith.constant 0 : i32
      %dma_start3A_299 = tpu.memref_slice %arg10[%dma_start3A_297, %dma_start3A_298] : memref<64x256xf32, #tpu.memory_space<vmem>> -> memref<64x128xf32, #tpu.memory_space<vmem>>
      %dma_start3A_300 = arith.constant 0 : i32
      %dma_start3A_301 = tpu.memref_slice %arg5[%dma_start3A_300, %multiple_of3A_281] : memref<64x1000000xf32, #tpu.memory_space<hbm>> -> memref<64x128xf32, #tpu.memory_space<hbm>>
      tpu.enqueue_dma source(%dma_start3A_301 : memref<64x128xf32, #tpu.memory_space<hbm>>) target(%dma_start3A_299 : memref<64x128xf32, #tpu.memory_space<vmem>>) target_semaphore(%arg17 : memref<!tpu.dma_semaphore, #tpu.memory_space<semaphore_mem>>)
      %shift_right_arithmetic3A_302 = arith.constant 7 : i32
      %shift_right_arithmetic3A_303 = arith.shrsi %squeeze3A_267, %shift_right_arithmetic3A_302 : i32
      %shift_left3A_304 = arith.constant 7 : i32
      %shift_left3A_305 = arith.shli %shift_right_arithmetic3A_303, %shift_left3A_304 : i32
      %multiple_of3A_306 = tpu.assume_multiple %shift_left3A_305, 128 : i32
      %shift_right_arithmetic3A_307 = arith.constant 7 : i32
      %shift_right_arithmetic3A_308 = arith.shrsi %squeeze3A_271, %shift_right_arithmetic3A_307 : i32
      %shift_left3A_309 = arith.constant 7 : i32
      %shift_left3A_310 = arith.shli %shift_right_arithmetic3A_308, %shift_left3A_309 : i32
      %multiple_of3A_311 = tpu.assume_multiple %shift_left3A_310, 128 : i32
      %dma_start3A_312 = arith.constant 0 : i32
      %dma_start3A_313 = arith.constant 128 : i32
      %dma_start3A_314 = tpu.memref_slice %arg9[%dma_start3A_312, %dma_start3A_313] : memref<64x256xf32, #tpu.memory_space<vmem>> -> memref<64x128xf32, #tpu.memory_space<vmem>>
      %dma_start3A_315 = arith.constant 0 : i32
      %dma_start3A_316 = tpu.memref_slice %arg4[%dma_start3A_315, %multiple_of3A_306] : memref<64x1000000xf32, #tpu.memory_space<hbm>> -> memref<64x128xf32, #tpu.memory_space<hbm>>
      %dma_start3A_317 = arith.constant 0 : i32
      %dma_start3A_318 = arith.constant 128 : i32
      %dma_start3A_319 = tpu.memref_slice %arg9[%dma_start3A_317, %dma_start3A_318] : memref<64x256xf32, #tpu.memory_space<vmem>> -> memref<64x128xf32, #tpu.memory_space<vmem>>
      %dma_start3A_320 = arith.constant 0 : i32
      %dma_start3A_321 = tpu.memref_slice %arg4[%dma_start3A_320, %multiple_of3A_306] : memref<64x1000000xf32, #tpu.memory_space<hbm>> -> memref<64x128xf32, #tpu.memory_space<hbm>>
      tpu.enqueue_dma source(%dma_start3A_321 : memref<64x128xf32, #tpu.memory_space<hbm>>) target(%dma_start3A_319 : memref<64x128xf32, #tpu.memory_space<vmem>>) target_semaphore(%arg17 : memref<!tpu.dma_semaphore, #tpu.memory_space<semaphore_mem>>)
      %dma_start3A_322 = arith.constant 0 : i32
      %dma_start3A_323 = arith.constant 128 : i32
      %dma_start3A_324 = tpu.memref_slice %arg10[%dma_start3A_322, %dma_start3A_323] : memref<64x256xf32, #tpu.memory_space<vmem>> -> memref<64x128xf32, #tpu.memory_space<vmem>>
      %dma_start3A_325 = arith.constant 0 : i32
      %dma_start3A_326 = tpu.memref_slice %arg5[%dma_start3A_325, %multiple_of3A_311] : memref<64x1000000xf32, #tpu.memory_space<hbm>> -> memref<64x128xf32, #tpu.memory_space<hbm>>
      %dma_start3A_327 = arith.constant 0 : i32
      %dma_start3A_328 = arith.constant 128 : i32
      %dma_start3A_329 = tpu.memref_slice %arg10[%dma_start3A_327, %dma_start3A_328] : memref<64x256xf32, #tpu.memory_space<vmem>> -> memref<64x128xf32, #tpu.memory_space<vmem>>
      %dma_start3A_330 = arith.constant 0 : i32
      %dma_start3A_331 = tpu.memref_slice %arg5[%dma_start3A_330, %multiple_of3A_311] : memref<64x1000000xf32, #tpu.memory_space<hbm>> -> memref<64x128xf32, #tpu.memory_space<hbm>>
      tpu.enqueue_dma source(%dma_start3A_331 : memref<64x128xf32, #tpu.memory_space<hbm>>) target(%dma_start3A_329 : memref<64x128xf32, #tpu.memory_space<vmem>>) target_semaphore(%arg17 : memref<!tpu.dma_semaphore, #tpu.memory_space<semaphore_mem>>)
      %add3A_332 = arith.constant 1 : i32
      %add3A_333 = arith.addi %mul3A_255, %add3A_332 : i32
      %mul3A_334 = arith.constant 2 : i32
      %mul3A_335 = arith.muli %mul3A_334, %add3A_333 : i32
      %get3A_336 = arith.index_cast %mul3A_335 : i32 to index
      %get3A_337 = tpu.vector_load %arg7[%get3A_336] {strides = array<i32>} : memref<528xi32, #tpu.memory_space<vmem>>, vector<16xi32>,
      %mul3A_338 = arith.constant 2 : i32
      %mul3A_339 = arith.muli %mul3A_338, %add3A_333 : i32
      %get3A_340 = arith.index_cast %mul3A_339 : i32 to index
      %get3A_341 = tpu.vector_load %arg8[%get3A_340] {strides = array<i32>} : memref<528xi32, #tpu.memory_space<vmem>>, vector<16xi32>,
      %slice3A_342 = vector.extract_strided_slice %get3A_337 {offsets = [0], sizes = [1], strides = [1]} : vector<16xi32> to vector<1xi32>
      %squeeze3A_343 = vector.extract %slice3A_342[0] : i32 from vector<1xi32>
      %slice3A_344 = vector.extract_strided_slice %get3A_337 {offsets = [1], sizes = [1], strides = [1]} : vector<16xi32> to vector<1xi32>
      %squeeze3A_345 = vector.extract %slice3A_344[0] : i32 from vector<1xi32>
      %slice3A_346 = vector.extract_strided_slice %get3A_341 {offsets = [0], sizes = [1], strides = [1]} : vector<16xi32> to vector<1xi32>
      %squeeze3A_347 = vector.extract %slice3A_346[0] : i32 from vector<1xi32>
      %slice3A_348 = vector.extract_strided_slice %get3A_341 {offsets = [1], sizes = [1], strides = [1]} : vector<16xi32> to vector<1xi32>
      %squeeze3A_349 = vector.extract %slice3A_348[0] : i32 from vector<1xi32>
      %shift_right_arithmetic3A_350 = arith.constant 7 : i32
      %shift_right_arithmetic3A_351 = arith.shrsi %squeeze3A_343, %shift_right_arithmetic3A_350 : i32
      %shift_left3A_352 = arith.constant 7 : i32
      %shift_left3A_353 = arith.shli %shift_right_arithmetic3A_351, %shift_left3A_352 : i32
      %multiple_of3A_354 = tpu.assume_multiple %shift_left3A_353, 128 : i32
      %shift_right_arithmetic3A_355 = arith.constant 7 : i32
      %shift_right_arithmetic3A_356 = arith.shrsi %squeeze3A_347, %shift_right_arithmetic3A_355 : i32
      %shift_left3A_357 = arith.constant 7 : i32
      %shift_left3A_358 = arith.shli %shift_right_arithmetic3A_356, %shift_left3A_357 : i32
      %multiple_of3A_359 = tpu.assume_multiple %shift_left3A_358, 128 : i32
      %dma_start3A_360 = arith.constant 0 : i32
      %dma_start3A_361 = arith.constant 0 : i32
      %dma_start3A_362 = tpu.memref_slice %arg11[%dma_start3A_360, %dma_start3A_361] : memref<64x256xf32, #tpu.memory_space<vmem>> -> memref<64x128xf32, #tpu.memory_space<vmem>>
      %dma_start3A_363 = arith.constant 0 : i32
      %dma_start3A_364 = tpu.memref_slice %arg4[%dma_start3A_363, %multiple_of3A_354] : memref<64x1000000xf32, #tpu.memory_space<hbm>> -> memref<64x128xf32, #tpu.memory_space<hbm>>
      %dma_start3A_365 = arith.constant 0 : i32
      %dma_start3A_366 = arith.constant 0 : i32
      %dma_start3A_367 = tpu.memref_slice %arg11[%dma_start3A_365, %dma_start3A_366] : memref<64x256xf32, #tpu.memory_space<vmem>> -> memref<64x128xf32, #tpu.memory_space<vmem>>
      %dma_start3A_368 = arith.constant 0 : i32
      %dma_start3A_369 = tpu.memref_slice %arg4[%dma_start3A_368, %multiple_of3A_354] : memref<64x1000000xf32, #tpu.memory_space<hbm>> -> memref<64x128xf32, #tpu.memory_space<hbm>>
      tpu.enqueue_dma source(%dma_start3A_369 : memref<64x128xf32, #tpu.memory_space<hbm>>) target(%dma_start3A_367 : memref<64x128xf32, #tpu.memory_space<vmem>>) target_semaphore(%arg18 : memref<!tpu.dma_semaphore, #tpu.memory_space<semaphore_mem>>)
      %dma_start3A_370 = arith.constant 0 : i32
      %dma_start3A_371 = arith.constant 0 : i32
      %dma_start3A_372 = tpu.memref_slice %arg12[%dma_start3A_370, %dma_start3A_371] : memref<64x256xf32, #tpu.memory_space<vmem>> -> memref<64x128xf32, #tpu.memory_space<vmem>>
      %dma_start3A_373 = arith.constant 0 : i32
      %dma_start3A_374 = tpu.memref_slice %arg5[%dma_start3A_373, %multiple_of3A_359] : memref<64x1000000xf32, #tpu.memory_space<hbm>> -> memref<64x128xf32, #tpu.memory_space<hbm>>
      %dma_start3A_375 = arith.constant 0 : i32
      %dma_start3A_376 = arith.constant 0 : i32
      %dma_start3A_377 = tpu.memref_slice %arg12[%dma_start3A_375, %dma_start3A_376] : memref<64x256xf32, #tpu.memory_space<vmem>> -> memref<64x128xf32, #tpu.memory_space<vmem>>
      %dma_start3A_378 = arith.constant 0 : i32
      %dma_start3A_379 = tpu.memref_slice %arg5[%dma_start3A_378, %multiple_of3A_359] : memref<64x1000000xf32, #tpu.memory_space<hbm>> -> memref<64x128xf32, #tpu.memory_space<hbm>>
      tpu.enqueue_dma source(%dma_start3A_379 : memref<64x128xf32, #tpu.memory_space<hbm>>) target(%dma_start3A_377 : memref<64x128xf32, #tpu.memory_space<vmem>>) target_semaphore(%arg18 : memref<!tpu.dma_semaphore, #tpu.memory_space<semaphore_mem>>)
      %shift_right_arithmetic3A_380 = arith.constant 7 : i32
      %shift_right_arithmetic3A_381 = arith.shrsi %squeeze3A_345, %shift_right_arithmetic3A_380 : i32
      %shift_left3A_382 = arith.constant 7 : i32
      %shift_left3A_383 = arith.shli %shift_right_arithmetic3A_381, %shift_left3A_382 : i32
      %multiple_of3A_384 = tpu.assume_multiple %shift_left3A_383, 128 : i32
      %shift_right_arithmetic3A_385 = arith.constant 7 : i32
      %shift_right_arithmetic3A_386 = arith.shrsi %squeeze3A_349, %shift_right_arithmetic3A_385 : i32
      %shift_left3A_387 = arith.constant 7 : i32
      %shift_left3A_388 = arith.shli %shift_right_arithmetic3A_386, %shift_left3A_387 : i32
      %multiple_of3A_389 = tpu.assume_multiple %shift_left3A_388, 128 : i32
      %dma_start3A_390 = arith.constant 0 : i32
      %dma_start3A_391 = arith.constant 128 : i32
      %dma_start3A_392 = tpu.memref_slice %arg11[%dma_start3A_390, %dma_start3A_391] : memref<64x256xf32, #tpu.memory_space<vmem>> -> memref<64x128xf32, #tpu.memory_space<vmem>>
      %dma_start3A_393 = arith.constant 0 : i32
      %dma_start3A_394 = tpu.memref_slice %arg4[%dma_start3A_393, %multiple_of3A_384] : memref<64x1000000xf32, #tpu.memory_space<hbm>> -> memref<64x128xf32, #tpu.memory_space<hbm>>
      %dma_start3A_395 = arith.constant 0 : i32
      %dma_start3A_396 = arith.constant 128 : i32
      %dma_start3A_397 = tpu.memref_slice %arg11[%dma_start3A_395, %dma_start3A_396] : memref<64x256xf32, #tpu.memory_space<vmem>> -> memref<64x128xf32, #tpu.memory_space<vmem>>
      %dma_start3A_398 = arith.constant 0 : i32
      %dma_start3A_399 = tpu.memref_slice %arg4[%dma_start3A_398, %multiple_of3A_384] : memref<64x1000000xf32, #tpu.memory_space<hbm>> -> memref<64x128xf32, #tpu.memory_space<hbm>>
      tpu.enqueue_dma source(%dma_start3A_399 : memref<64x128xf32, #tpu.memory_space<hbm>>) target(%dma_start3A_397 : memref<64x128xf32, #tpu.memory_space<vmem>>) target_semaphore(%arg18 : memref<!tpu.dma_semaphore, #tpu.memory_space<semaphore_mem>>)
      %dma_start3A_400 = arith.constant 0 : i32
      %dma_start3A_401 = arith.constant 128 : i32
      %dma_start3A_402 = tpu.memref_slice %arg12[%dma_start3A_400, %dma_start3A_401] : memref<64x256xf32, #tpu.memory_space<vmem>> -> memref<64x128xf32, #tpu.memory_space<vmem>>
      %dma_start3A_403 = arith.constant 0 : i32
      %dma_start3A_404 = tpu.memref_slice %arg5[%dma_start3A_403, %multiple_of3A_389] : memref<64x1000000xf32, #tpu.memory_space<hbm>> -> memref<64x128xf32, #tpu.memory_space<hbm>>
      %dma_start3A_405 = arith.constant 0 : i32
      %dma_start3A_406 = arith.constant 128 : i32
      %dma_start3A_407 = tpu.memref_slice %arg12[%dma_start3A_405, %dma_start3A_406] : memref<64x256xf32, #tpu.memory_space<vmem>> -> memref<64x128xf32, #tpu.memory_space<vmem>>
      %dma_start3A_408 = arith.constant 0 : i32
      %dma_start3A_409 = tpu.memref_slice %arg5[%dma_start3A_408, %multiple_of3A_389] : memref<64x1000000xf32, #tpu.memory_space<hbm>> -> memref<64x128xf32, #tpu.memory_space<hbm>>
      tpu.enqueue_dma source(%dma_start3A_409 : memref<64x128xf32, #tpu.memory_space<hbm>>) target(%dma_start3A_407 : memref<64x128xf32, #tpu.memory_space<vmem>>) target_semaphore(%arg18 : memref<!tpu.dma_semaphore, #tpu.memory_space<semaphore_mem>>)
      %add3A_410 = arith.constant 2 : i32
      %add3A_411 = arith.addi %mul3A_255, %add3A_410 : i32
      %mul3A_412 = arith.constant 2 : i32
      %mul3A_413 = arith.muli %mul3A_412, %add3A_411 : i32
      %get3A_414 = arith.index_cast %mul3A_413 : i32 to index
      %get3A_415 = tpu.vector_load %arg7[%get3A_414] {strides = array<i32>} : memref<528xi32, #tpu.memory_space<vmem>>, vector<16xi32>,
      %mul3A_416 = arith.constant 2 : i32
      %mul3A_417 = arith.muli %mul3A_416, %add3A_411 : i32
      %get3A_418 = arith.index_cast %mul3A_417 : i32 to index
      %get3A_419 = tpu.vector_load %arg8[%get3A_418] {strides = array<i32>} : memref<528xi32, #tpu.memory_space<vmem>>, vector<16xi32>,
      %slice3A_420 = vector.extract_strided_slice %get3A_415 {offsets = [0], sizes = [1], strides = [1]} : vector<16xi32> to vector<1xi32>
      %squeeze3A_421 = vector.extract %slice3A_420[0] : i32 from vector<1xi32>
      %slice3A_422 = vector.extract_strided_slice %get3A_415 {offsets = [1], sizes = [1], strides = [1]} : vector<16xi32> to vector<1xi32>
      %squeeze3A_423 = vector.extract %slice3A_422[0] : i32 from vector<1xi32>
      %slice3A_424 = vector.extract_strided_slice %get3A_419 {offsets = [0], sizes = [1], strides = [1]} : vector<16xi32> to vector<1xi32>
      %squeeze3A_425 = vector.extract %slice3A_424[0] : i32 from vector<1xi32>
      %slice3A_426 = vector.extract_strided_slice %get3A_419 {offsets = [1], sizes = [1], strides = [1]} : vector<16xi32> to vector<1xi32>
      %squeeze3A_427 = vector.extract %slice3A_426[0] : i32 from vector<1xi32>
      %shift_right_arithmetic3A_428 = arith.constant 7 : i32
      %shift_right_arithmetic3A_429 = arith.shrsi %squeeze3A_421, %shift_right_arithmetic3A_428 : i32
      %shift_left3A_430 = arith.constant 7 : i32
      %shift_left3A_431 = arith.shli %shift_right_arithmetic3A_429, %shift_left3A_430 : i32
      %multiple_of3A_432 = tpu.assume_multiple %shift_left3A_431, 128 : i32
      %shift_right_arithmetic3A_433 = arith.constant 7 : i32
      %shift_right_arithmetic3A_434 = arith.shrsi %squeeze3A_425, %shift_right_arithmetic3A_433 : i32
      %shift_left3A_435 = arith.constant 7 : i32
      %shift_left3A_436 = arith.shli %shift_right_arithmetic3A_434, %shift_left3A_435 : i32
      %multiple_of3A_437 = tpu.assume_multiple %shift_left3A_436, 128 : i32
      %dma_start3A_438 = arith.constant 0 : i32
      %dma_start3A_439 = arith.constant 0 : i32
      %dma_start3A_440 = tpu.memref_slice %arg13[%dma_start3A_438, %dma_start3A_439] : memref<64x256xf32, #tpu.memory_space<vmem>> -> memref<64x128xf32, #tpu.memory_space<vmem>>
      %dma_start3A_441 = arith.constant 0 : i32
      %dma_start3A_442 = tpu.memref_slice %arg4[%dma_start3A_441, %multiple_of3A_432] : memref<64x1000000xf32, #tpu.memory_space<hbm>> -> memref<64x128xf32, #tpu.memory_space<hbm>>
      %dma_start3A_443 = arith.constant 0 : i32
      %dma_start3A_444 = arith.constant 0 : i32
      %dma_start3A_445 = tpu.memref_slice %arg13[%dma_start3A_443, %dma_start3A_444] : memref<64x256xf32, #tpu.memory_space<vmem>> -> memref<64x128xf32, #tpu.memory_space<vmem>>
      %dma_start3A_446 = arith.constant 0 : i32
      %dma_start3A_447 = tpu.memref_slice %arg4[%dma_start3A_446, %multiple_of3A_432] : memref<64x1000000xf32, #tpu.memory_space<hbm>> -> memref<64x128xf32, #tpu.memory_space<hbm>>
      tpu.enqueue_dma source(%dma_start3A_447 : memref<64x128xf32, #tpu.memory_space<hbm>>) target(%dma_start3A_445 : memref<64x128xf32, #tpu.memory_space<vmem>>) target_semaphore(%arg19 : memref<!tpu.dma_semaphore, #tpu.memory_space<semaphore_mem>>)
      %dma_start3A_448 = arith.constant 0 : i32
      %dma_start3A_449 = arith.constant 0 : i32
      %dma_start3A_450 = tpu.memref_slice %arg14[%dma_start3A_448, %dma_start3A_449] : memref<64x256xf32, #tpu.memory_space<vmem>> -> memref<64x128xf32, #tpu.memory_space<vmem>>
      %dma_start3A_451 = arith.constant 0 : i32
      %dma_start3A_452 = tpu.memref_slice %arg5[%dma_start3A_451, %multiple_of3A_437] : memref<64x1000000xf32, #tpu.memory_space<hbm>> -> memref<64x128xf32, #tpu.memory_space<hbm>>
      %dma_start3A_453 = arith.constant 0 : i32
      %dma_start3A_454 = arith.constant 0 : i32
      %dma_start3A_455 = tpu.memref_slice %arg14[%dma_start3A_453, %dma_start3A_454] : memref<64x256xf32, #tpu.memory_space<vmem>> -> memref<64x128xf32, #tpu.memory_space<vmem>>
      %dma_start3A_456 = arith.constant 0 : i32
      %dma_start3A_457 = tpu.memref_slice %arg5[%dma_start3A_456, %multiple_of3A_437] : memref<64x1000000xf32, #tpu.memory_space<hbm>> -> memref<64x128xf32, #tpu.memory_space<hbm>>
      tpu.enqueue_dma source(%dma_start3A_457 : memref<64x128xf32, #tpu.memory_space<hbm>>) target(%dma_start3A_455 : memref<64x128xf32, #tpu.memory_space<vmem>>) target_semaphore(%arg19 : memref<!tpu.dma_semaphore, #tpu.memory_space<semaphore_mem>>)
      %shift_right_arithmetic3A_458 = arith.constant 7 : i32
      %shift_right_arithmetic3A_459 = arith.shrsi %squeeze3A_423, %shift_right_arithmetic3A_458 : i32
      %shift_left3A_460 = arith.constant 7 : i32
      %shift_left3A_461 = arith.shli %shift_right_arithmetic3A_459, %shift_left3A_460 : i32
      %multiple_of3A_462 = tpu.assume_multiple %shift_left3A_461, 128 : i32
      %shift_right_arithmetic3A_463 = arith.constant 7 : i32
      %shift_right_arithmetic3A_464 = arith.shrsi %squeeze3A_427, %shift_right_arithmetic3A_463 : i32
      %shift_left3A_465 = arith.constant 7 : i32
      %shift_left3A_466 = arith.shli %shift_right_arithmetic3A_464, %shift_left3A_465 : i32
      %multiple_of3A_467 = tpu.assume_multiple %shift_left3A_466, 128 : i32
      %dma_start3A_468 = arith.constant 0 : i32
      %dma_start3A_469 = arith.constant 128 : i32
      %dma_start3A_470 = tpu.memref_slice %arg13[%dma_start3A_468, %dma_start3A_469] : memref<64x256xf32, #tpu.memory_space<vmem>> -> memref<64x128xf32, #tpu.memory_space<vmem>>
      %dma_start3A_471 = arith.constant 0 : i32
      %dma_start3A_472 = tpu.memref_slice %arg4[%dma_start3A_471, %multiple_of3A_462] : memref<64x1000000xf32, #tpu.memory_space<hbm>> -> memref<64x128xf32, #tpu.memory_space<hbm>>
      %dma_start3A_473 = arith.constant 0 : i32
      %dma_start3A_474 = arith.constant 128 : i32
      %dma_start3A_475 = tpu.memref_slice %arg13[%dma_start3A_473, %dma_start3A_474] : memref<64x256xf32, #tpu.memory_space<vmem>> -> memref<64x128xf32, #tpu.memory_space<vmem>>
      %dma_start3A_476 = arith.constant 0 : i32
      %dma_start3A_477 = tpu.memref_slice %arg4[%dma_start3A_476, %multiple_of3A_462] : memref<64x1000000xf32, #tpu.memory_space<hbm>> -> memref<64x128xf32, #tpu.memory_space<hbm>>
      tpu.enqueue_dma source(%dma_start3A_477 : memref<64x128xf32, #tpu.memory_space<hbm>>) target(%dma_start3A_475 : memref<64x128xf32, #tpu.memory_space<vmem>>) target_semaphore(%arg19 : memref<!tpu.dma_semaphore, #tpu.memory_space<semaphore_mem>>)
      %dma_start3A_478 = arith.constant 0 : i32
      %dma_start3A_479 = arith.constant 128 : i32
      %dma_start3A_480 = tpu.memref_slice %arg14[%dma_start3A_478, %dma_start3A_479] : memref<64x256xf32, #tpu.memory_space<vmem>> -> memref<64x128xf32, #tpu.memory_space<vmem>>
      %dma_start3A_481 = arith.constant 0 : i32
      %dma_start3A_482 = tpu.memref_slice %arg5[%dma_start3A_481, %multiple_of3A_467] : memref<64x1000000xf32, #tpu.memory_space<hbm>> -> memref<64x128xf32, #tpu.memory_space<hbm>>
      %dma_start3A_483 = arith.constant 0 : i32
      %dma_start3A_484 = arith.constant 128 : i32
      %dma_start3A_485 = tpu.memref_slice %arg14[%dma_start3A_483, %dma_start3A_484] : memref<64x256xf32, #tpu.memory_space<vmem>> -> memref<64x128xf32, #tpu.memory_space<vmem>>
      %dma_start3A_486 = arith.constant 0 : i32
      %dma_start3A_487 = tpu.memref_slice %arg5[%dma_start3A_486, %multiple_of3A_467] : memref<64x1000000xf32, #tpu.memory_space<hbm>> -> memref<64x128xf32, #tpu.memory_space<hbm>>
      tpu.enqueue_dma source(%dma_start3A_487 : memref<64x128xf32, #tpu.memory_space<hbm>>) target(%dma_start3A_485 : memref<64x128xf32, #tpu.memory_space<vmem>>) target_semaphore(%arg19 : memref<!tpu.dma_semaphore, #tpu.memory_space<semaphore_mem>>)
      %dma_wait3A_488 = arith.constant 0 : i32
      %dma_wait3A_489 = arith.constant 0 : i32
      %dma_wait3A_490 = tpu.memref_slice %arg9[%dma_wait3A_488, %dma_wait3A_489] : memref<64x256xf32, #tpu.memory_space<vmem>> -> memref<64x128xf32, #tpu.memory_space<vmem>>
      %dma_wait3A_491 = arith.constant 0 : i32
      %dma_wait3A_492 = tpu.memref_slice %arg4[%dma_wait3A_491, %multiple_of3A_276] : memref<64x1000000xf32, #tpu.memory_space<hbm>> -> memref<64x128xf32, #tpu.memory_space<hbm>>
      %dma_wait3A_493 = arith.constant 0 : i32
      %dma_wait3A_494 = arith.constant 0 : i32
      %dma_wait3A_495 = tpu.memref_slice %arg9[%dma_wait3A_493, %dma_wait3A_494] : memref<64x256xf32, #tpu.memory_space<vmem>> -> memref<64x128xf32, #tpu.memory_space<vmem>>
      %dma_wait3A_496 = arith.constant 0 : i32
      %dma_wait3A_497 = tpu.memref_slice %arg4[%dma_wait3A_496, %multiple_of3A_276] : memref<64x1000000xf32, #tpu.memory_space<hbm>> -> memref<64x128xf32, #tpu.memory_space<hbm>>
      tpu.wait_dma2 semaphore(%arg17 : memref<!tpu.dma_semaphore, #tpu.memory_space<semaphore_mem>>) src(%dma_wait3A_497 : memref<64x128xf32, #tpu.memory_space<hbm>>) dst(%dma_wait3A_495 : memref<64x128xf32, #tpu.memory_space<vmem>>)
      %dma_wait3A_498 = arith.constant 0 : i32
      %dma_wait3A_499 = arith.constant 0 : i32
      %dma_wait3A_500 = tpu.memref_slice %arg10[%dma_wait3A_498, %dma_wait3A_499] : memref<64x256xf32, #tpu.memory_space<vmem>> -> memref<64x128xf32, #tpu.memory_space<vmem>>
      %dma_wait3A_501 = arith.constant 0 : i32
      %dma_wait3A_502 = tpu.memref_slice %arg5[%dma_wait3A_501, %multiple_of3A_281] : memref<64x1000000xf32, #tpu.memory_space<hbm>> -> memref<64x128xf32, #tpu.memory_space<hbm>>
      %dma_wait3A_503 = arith.constant 0 : i32
      %dma_wait3A_504 = arith.constant 0 : i32
      %dma_wait3A_505 = tpu.memref_slice %arg10[%dma_wait3A_503, %dma_wait3A_504] : memref<64x256xf32, #tpu.memory_space<vmem>> -> memref<64x128xf32, #tpu.memory_space<vmem>>
      %dma_wait3A_506 = arith.constant 0 : i32
      %dma_wait3A_507 = tpu.memref_slice %arg5[%dma_wait3A_506, %multiple_of3A_281] : memref<64x1000000xf32, #tpu.memory_space<hbm>> -> memref<64x128xf32, #tpu.memory_space<hbm>>
      tpu.wait_dma2 semaphore(%arg17 : memref<!tpu.dma_semaphore, #tpu.memory_space<semaphore_mem>>) src(%dma_wait3A_507 : memref<64x128xf32, #tpu.memory_space<hbm>>) dst(%dma_wait3A_505 : memref<64x128xf32, #tpu.memory_space<vmem>>)
      %dma_wait3A_508 = arith.constant 0 : i32
      %dma_wait3A_509 = arith.constant 128 : i32
      %dma_wait3A_510 = tpu.memref_slice %arg9[%dma_wait3A_508, %dma_wait3A_509] : memref<64x256xf32, #tpu.memory_space<vmem>> -> memref<64x128xf32, #tpu.memory_space<vmem>>
      %dma_wait3A_511 = arith.constant 0 : i32
      %dma_wait3A_512 = tpu.memref_slice %arg4[%dma_wait3A_511, %multiple_of3A_306] : memref<64x1000000xf32, #tpu.memory_space<hbm>> -> memref<64x128xf32, #tpu.memory_space<hbm>>
      %dma_wait3A_513 = arith.constant 0 : i32
      %dma_wait3A_514 = arith.constant 128 : i32
      %dma_wait3A_515 = tpu.memref_slice %arg9[%dma_wait3A_513, %dma_wait3A_514] : memref<64x256xf32, #tpu.memory_space<vmem>> -> memref<64x128xf32, #tpu.memory_space<vmem>>
      %dma_wait3A_516 = arith.constant 0 : i32
      %dma_wait3A_517 = tpu.memref_slice %arg4[%dma_wait3A_516, %multiple_of3A_306] : memref<64x1000000xf32, #tpu.memory_space<hbm>> -> memref<64x128xf32, #tpu.memory_space<hbm>>
      tpu.wait_dma2 semaphore(%arg17 : memref<!tpu.dma_semaphore, #tpu.memory_space<semaphore_mem>>) src(%dma_wait3A_517 : memref<64x128xf32, #tpu.memory_space<hbm>>) dst(%dma_wait3A_515 : memref<64x128xf32, #tpu.memory_space<vmem>>)
      %dma_wait3A_518 = arith.constant 0 : i32
      %dma_wait3A_519 = arith.constant 128 : i32
      %dma_wait3A_520 = tpu.memref_slice %arg10[%dma_wait3A_518, %dma_wait3A_519] : memref<64x256xf32, #tpu.memory_space<vmem>> -> memref<64x128xf32, #tpu.memory_space<vmem>>
      %dma_wait3A_521 = arith.constant 0 : i32
      %dma_wait3A_522 = tpu.memref_slice %arg5[%dma_wait3A_521, %multiple_of3A_311] : memref<64x1000000xf32, #tpu.memory_space<hbm>> -> memref<64x128xf32, #tpu.memory_space<hbm>>
      %dma_wait3A_523 = arith.constant 0 : i32
      %dma_wait3A_524 = arith.constant 128 : i32
      %dma_wait3A_525 = tpu.memref_slice %arg10[%dma_wait3A_523, %dma_wait3A_524] : memref<64x256xf32, #tpu.memory_space<vmem>> -> memref<64x128xf32, #tpu.memory_space<vmem>>
      %dma_wait3A_526 = arith.constant 0 : i32
      %dma_wait3A_527 = tpu.memref_slice %arg5[%dma_wait3A_526, %multiple_of3A_311] : memref<64x1000000xf32, #tpu.memory_space<hbm>> -> memref<64x128xf32, #tpu.memory_space<hbm>>
      tpu.wait_dma2 semaphore(%arg17 : memref<!tpu.dma_semaphore, #tpu.memory_space<semaphore_mem>>) src(%dma_wait3A_527 : memref<64x128xf32, #tpu.memory_space<hbm>>) dst(%dma_wait3A_525 : memref<64x128xf32, #tpu.memory_space<vmem>>)
      %and3A_528 = arith.constant 7 : i32
      %and3A_529 = arith.andi %mul3A_255, %and3A_528 : i32
      %eq3A_530 = arith.constant 0 : i32
      %eq3A_531 = arith.cmpi eq, %and3A_529, %eq3A_530 : i32
      %broadcast_in_dim3A_532 = arith.constant 0.000000e+00 : f32
      %broadcast_in_dim3A_533 = vector.broadcast %broadcast_in_dim3A_532 : f32 to vector<16xf32>
      %select_n3A_534 = arith.select %eq3A_531, %broadcast_in_dim3A_533, %scan3A_253 : vector<16xf32>
      %mul3A_535 = arith.constant 2 : i32
      %mul3A_536 = arith.muli %mul3A_535, %mul3A_255 : i32
      %get3A_537 = arith.index_cast %mul3A_536 : i32 to index
      %get3A_538 = tpu.vector_load %arg7[%get3A_537] {strides = array<i32>} : memref<528xi32, #tpu.memory_space<vmem>>, vector<16xi32>,
      %mul3A_539 = arith.constant 2 : i32
      %mul3A_540 = arith.muli %mul3A_539, %mul3A_255 : i32
      %get3A_541 = arith.index_cast %mul3A_540 : i32 to index
      %get3A_542 = tpu.vector_load %arg8[%get3A_541] {strides = array<i32>} : memref<528xi32, #tpu.memory_space<vmem>>, vector<16xi32>,
      %slice3A_543 = vector.extract_strided_slice %get3A_538 {offsets = [0], sizes = [1], strides = [1]} : vector<16xi32> to vector<1xi32>
      %squeeze3A_544 = vector.extract %slice3A_543[0] : i32 from vector<1xi32>
      %slice3A_545 = vector.extract_strided_slice %get3A_538 {offsets = [1], sizes = [1], strides = [1]} : vector<16xi32> to vector<1xi32>
      %squeeze3A_546 = vector.extract %slice3A_545[0] : i32 from vector<1xi32>
      %slice3A_547 = vector.extract_strided_slice %get3A_542 {offsets = [0], sizes = [1], strides = [1]} : vector<16xi32> to vector<1xi32>
      %squeeze3A_548 = vector.extract %slice3A_547[0] : i32 from vector<1xi32>
      %slice3A_549 = vector.extract_strided_slice %get3A_542 {offsets = [1], sizes = [1], strides = [1]} : vector<16xi32> to vector<1xi32>
      %squeeze3A_550 = vector.extract %slice3A_549[0] : i32 from vector<1xi32>
      %shift_left3A_551 = arith.constant 7 : i32
      %shift_left3A_552 = vector.broadcast %shift_left3A_551 : i32 to vector<16xi32>
      %shift_left3A_553 = arith.shli %shift_right_arithmetic3A_6, %shift_left3A_552 : vector<16xi32>
      %lt3A_554 = arith.constant 8 : i32
      %lt3A_555 = vector.broadcast %lt3A_554 : i32 to vector<16xi32>
      %lt3A_556 = arith.cmpi slt, %iota3A, %lt3A_555 : vector<16xi32>
      %and3A_557 = arith.constant 127 : i32
      %and3A_558 = arith.andi %squeeze3A_544, %and3A_557 : i32
      %and3A_559 = arith.constant 127 : i32
      %and3A_560 = arith.andi %squeeze3A_546, %and3A_559 : i32
      %broadcast_in_dim3A_561 = vector.broadcast %and3A_558 : i32 to vector<16xi32>
      %broadcast_in_dim3A_562 = vector.broadcast %and3A_560 : i32 to vector<16xi32>
      %select_n3A_563 = arith.select %lt3A_556, %broadcast_in_dim3A_561, %broadcast_in_dim3A_562 : vector<16xi1>, vector<16xi32>
      %add3A_564 = arith.addi %shift_left3A_553, %select_n3A_563 : vector<16xi32>
      %shift_left3A_565 = arith.constant 7 : i32
      %shift_left3A_566 = vector.broadcast %shift_left3A_565 : i32 to vector<16xi32>
      %shift_left3A_567 = arith.shli %shift_right_arithmetic3A_6, %shift_left3A_566 : vector<16xi32>
      %lt3A_568 = arith.constant 8 : i32
      %lt3A_569 = vector.broadcast %lt3A_568 : i32 to vector<16xi32>
      %lt3A_570 = arith.cmpi slt, %iota3A, %lt3A_569 : vector<16xi32>
      %and3A_571 = arith.constant 127 : i32
      %and3A_572 = arith.andi %squeeze3A_548, %and3A_571 : i32
      %and3A_573 = arith.constant 127 : i32
      %and3A_574 = arith.andi %squeeze3A_550, %and3A_573 : i32
      %broadcast_in_dim3A_575 = vector.broadcast %and3A_572 : i32 to vector<16xi32>
      %broadcast_in_dim3A_576 = vector.broadcast %and3A_574 : i32 to vector<16xi32>
      %select_n3A_577 = arith.select %lt3A_570, %broadcast_in_dim3A_575, %broadcast_in_dim3A_576 : vector<16xi1>, vector<16xi32>
      %add3A_578 = arith.addi %shift_left3A_567, %select_n3A_577 : vector<16xi32>
      %broadcast_in_dim3A_579 = arith.constant 0.000000e+00 : f32
      %broadcast_in_dim3A_580 = vector.broadcast %broadcast_in_dim3A_579 : f32 to vector<16xf32>
      %add3A_581 = arith.constant 0 : i32
      %add3A_582 = vector.broadcast %add3A_581 : i32 to vector<16xi32>
      %add3A_583 = arith.addi %add3A_582, %and3A_4 : vector<16xi32>
      %gather3A_584 = tpu.vector_load_idx %arg9[%add3A_583, %add3A_564] : memref<64x256xf32, #tpu.memory_space<vmem>>[vector<16xi32>, vector<16xi32>], vector<16xf32>,
      %gather3A_585 = tpu.vector_load_idx %arg10[%add3A_583, %add3A_578] : memref<64x256xf32, #tpu.memory_space<vmem>>[vector<16xi32>, vector<16xi32>], vector<16xf32>,
      %mul3A_586 = arith.mulf %gather3A_584, %gather3A_585 : vector<16xf32>
      %add3A_587 = arith.addf %broadcast_in_dim3A_580, %mul3A_586 : vector<16xf32>
      %add3A_588 = arith.constant 8 : i32
      %add3A_589 = vector.broadcast %add3A_588 : i32 to vector<16xi32>
      %add3A_590 = arith.addi %add3A_589, %and3A_4 : vector<16xi32>
      %gather3A_591 = tpu.vector_load_idx %arg9[%add3A_590, %add3A_564] : memref<64x256xf32, #tpu.memory_space<vmem>>[vector<16xi32>, vector<16xi32>], vector<16xf32>,
      %gather3A_592 = tpu.vector_load_idx %arg10[%add3A_590, %add3A_578] : memref<64x256xf32, #tpu.memory_space<vmem>>[vector<16xi32>, vector<16xi32>], vector<16xf32>,
      %mul3A_593 = arith.mulf %gather3A_591, %gather3A_592 : vector<16xf32>
      %add3A_594 = arith.addf %add3A_587, %mul3A_593 : vector<16xf32>
      %add3A_595 = arith.constant 16 : i32
      %add3A_596 = vector.broadcast %add3A_595 : i32 to vector<16xi32>
      %add3A_597 = arith.addi %add3A_596, %and3A_4 : vector<16xi32>
      %gather3A_598 = tpu.vector_load_idx %arg9[%add3A_597, %add3A_564] : memref<64x256xf32, #tpu.memory_space<vmem>>[vector<16xi32>, vector<16xi32>], vector<16xf32>,
      %gather3A_599 = tpu.vector_load_idx %arg10[%add3A_597, %add3A_578] : memref<64x256xf32, #tpu.memory_space<vmem>>[vector<16xi32>, vector<16xi32>], vector<16xf32>,
      %mul3A_600 = arith.mulf %gather3A_598, %gather3A_599 : vector<16xf32>
      %add3A_601 = arith.addf %add3A_594, %mul3A_600 : vector<16xf32>
      %add3A_602 = arith.constant 24 : i32
      %add3A_603 = vector.broadcast %add3A_602 : i32 to vector<16xi32>
      %add3A_604 = arith.addi %add3A_603, %and3A_4 : vector<16xi32>
      %gather3A_605 = tpu.vector_load_idx %arg9[%add3A_604, %add3A_564] : memref<64x256xf32, #tpu.memory_space<vmem>>[vector<16xi32>, vector<16xi32>], vector<16xf32>,
      %gather3A_606 = tpu.vector_load_idx %arg10[%add3A_604, %add3A_578] : memref<64x256xf32, #tpu.memory_space<vmem>>[vector<16xi32>, vector<16xi32>], vector<16xf32>,
      %mul3A_607 = arith.mulf %gather3A_605, %gather3A_606 : vector<16xf32>
      %add3A_608 = arith.addf %add3A_601, %mul3A_607 : vector<16xf32>
      %add3A_609 = arith.constant 32 : i32
      %add3A_610 = vector.broadcast %add3A_609 : i32 to vector<16xi32>
      %add3A_611 = arith.addi %add3A_610, %and3A_4 : vector<16xi32>
      %gather3A_612 = tpu.vector_load_idx %arg9[%add3A_611, %add3A_564] : memref<64x256xf32, #tpu.memory_space<vmem>>[vector<16xi32>, vector<16xi32>], vector<16xf32>,
      %gather3A_613 = tpu.vector_load_idx %arg10[%add3A_611, %add3A_578] : memref<64x256xf32, #tpu.memory_space<vmem>>[vector<16xi32>, vector<16xi32>], vector<16xf32>,
      %mul3A_614 = arith.mulf %gather3A_612, %gather3A_613 : vector<16xf32>
      %add3A_615 = arith.addf %add3A_608, %mul3A_614 : vector<16xf32>
      %add3A_616 = arith.constant 40 : i32
      %add3A_617 = vector.broadcast %add3A_616 : i32 to vector<16xi32>
      %add3A_618 = arith.addi %add3A_617, %and3A_4 : vector<16xi32>
      %gather3A_619 = tpu.vector_load_idx %arg9[%add3A_618, %add3A_564] : memref<64x256xf32, #tpu.memory_space<vmem>>[vector<16xi32>, vector<16xi32>], vector<16xf32>,
      %gather3A_620 = tpu.vector_load_idx %arg10[%add3A_618, %add3A_578] : memref<64x256xf32, #tpu.memory_space<vmem>>[vector<16xi32>, vector<16xi32>], vector<16xf32>,
      %mul3A_621 = arith.mulf %gather3A_619, %gather3A_620 : vector<16xf32>
      %add3A_622 = arith.addf %add3A_615, %mul3A_621 : vector<16xf32>
      %add3A_623 = arith.constant 48 : i32
      %add3A_624 = vector.broadcast %add3A_623 : i32 to vector<16xi32>
      %add3A_625 = arith.addi %add3A_624, %and3A_4 : vector<16xi32>
      %gather3A_626 = tpu.vector_load_idx %arg9[%add3A_625, %add3A_564] : memref<64x256xf32, #tpu.memory_space<vmem>>[vector<16xi32>, vector<16xi32>], vector<16xf32>,
      %gather3A_627 = tpu.vector_load_idx %arg10[%add3A_625, %add3A_578] : memref<64x256xf32, #tpu.memory_space<vmem>>[vector<16xi32>, vector<16xi32>], vector<16xf32>,
      %mul3A_628 = arith.mulf %gather3A_626, %gather3A_627 : vector<16xf32>
      %add3A_629 = arith.addf %add3A_622, %mul3A_628 : vector<16xf32>
      %add3A_630 = arith.constant 56 : i32
      %add3A_631 = vector.broadcast %add3A_630 : i32 to vector<16xi32>
      %add3A_632 = arith.addi %add3A_631, %and3A_4 : vector<16xi32>
      %gather3A_633 = tpu.vector_load_idx %arg9[%add3A_632, %add3A_564] : memref<64x256xf32, #tpu.memory_space<vmem>>[vector<16xi32>, vector<16xi32>], vector<16xf32>,
      %gather3A_634 = tpu.vector_load_idx %arg10[%add3A_632, %add3A_578] : memref<64x256xf32, #tpu.memory_space<vmem>>[vector<16xi32>, vector<16xi32>], vector<16xf32>,
      %mul3A_635 = arith.mulf %gather3A_633, %gather3A_634 : vector<16xf32>
      %add3A_636 = arith.addf %add3A_629, %mul3A_635 : vector<16xf32>
      %swap3A_637 = arith.constant 0 : index
      %swap3A_638 = tpu.vector_load %arg15[%swap3A_637] {strides = array<i32>} : memref<16xf32, #tpu.memory_space<vmem>>, vector<16xf32>,
      tpu.vector_store %arg15[%swap3A_637], %add3A_636 {strides = array<i32>} : memref<16xf32, #tpu.memory_space<vmem>>, vector<16xf32>,
      %xor3A_639 = arith.constant 1 : i32
      %xor3A_640 = vector.broadcast %xor3A_639 : i32 to vector<16xi32>
      %xor3A_641 = arith.xori %iota3A, %xor3A_640 : vector<16xi32>
      %gather3A_642 = tpu.vector_load_idx %arg15[%xor3A_641] : memref<16xf32, #tpu.memory_space<vmem>>[vector<16xi32>], vector<16xf32>,
      %add3A_643 = arith.addf %add3A_636, %gather3A_642 : vector<16xf32>
      %swap3A_644 = arith.constant 0 : index
      %swap3A_645 = tpu.vector_load %arg15[%swap3A_644] {strides = array<i32>} : memref<16xf32, #tpu.memory_space<vmem>>, vector<16xf32>,
      tpu.vector_store %arg15[%swap3A_644], %add3A_643 {strides = array<i32>} : memref<16xf32, #tpu.memory_space<vmem>>, vector<16xf32>,
      %xor3A_646 = arith.constant 2 : i32
      %xor3A_647 = vector.broadcast %xor3A_646 : i32 to vector<16xi32>
      %xor3A_648 = arith.xori %iota3A, %xor3A_647 : vector<16xi32>
      %gather3A_649 = tpu.vector_load_idx %arg15[%xor3A_648] : memref<16xf32, #tpu.memory_space<vmem>>[vector<16xi32>], vector<16xf32>,
      %add3A_650 = arith.addf %add3A_643, %gather3A_649 : vector<16xf32>
      %swap3A_651 = arith.constant 0 : index
      %swap3A_652 = tpu.vector_load %arg15[%swap3A_651] {strides = array<i32>} : memref<16xf32, #tpu.memory_space<vmem>>, vector<16xf32>,
      tpu.vector_store %arg15[%swap3A_651], %add3A_650 {strides = array<i32>} : memref<16xf32, #tpu.memory_space<vmem>>, vector<16xf32>,
      %xor3A_653 = arith.constant 4 : i32
      %xor3A_654 = vector.broadcast %xor3A_653 : i32 to vector<16xi32>
      %xor3A_655 = arith.xori %iota3A, %xor3A_654 : vector<16xi32>
      %gather3A_656 = tpu.vector_load_idx %arg15[%xor3A_655] : memref<16xf32, #tpu.memory_space<vmem>>[vector<16xi32>], vector<16xf32>,
      %add3A_657 = arith.addf %add3A_650, %gather3A_656 : vector<16xf32>
      %and3A_658 = arith.constant 7 : i32
      %and3A_659 = arith.andi %mul3A_255, %and3A_658 : i32
      %mul3A_660 = arith.constant 2 : i32
      %mul3A_661 = arith.muli %and3A_659, %mul3A_660 : i32
      %eq3A_662 = vector.broadcast %mul3A_661 : i32 to vector<16xi32>
      %eq3A_663 = arith.cmpi eq, %iota3A, %eq3A_662 : vector<16xi32>
      %slice3A_664 = vector.extract_strided_slice %add3A_657 {offsets = [0], sizes = [1], strides = [1]} : vector<16xf32> to vector<1xf32>
      %squeeze3A_665 = vector.extract %slice3A_664[0] : f32 from vector<1xf32>
      %broadcast_in_dim3A_666 = vector.broadcast %squeeze3A_665 : f32 to vector<16xf32>
      %select_n3A_667 = arith.select %eq3A_663, %broadcast_in_dim3A_666, %select_n3A_534 : vector<16xi1>, vector<16xf32>
      %add3A_668 = arith.constant 1 : i32
      %add3A_669 = arith.addi %mul3A_661, %add3A_668 : i32
      %eq3A_670 = vector.broadcast %add3A_669 : i32 to vector<16xi32>
      %eq3A_671 = arith.cmpi eq, %iota3A, %eq3A_670 : vector<16xi32>
      %slice3A_672 = vector.extract_strided_slice %add3A_657 {offsets = [8], sizes = [1], strides = [1]} : vector<16xf32> to vector<1xf32>
      %squeeze3A_673 = vector.extract %slice3A_672[0] : f32 from vector<1xf32>
      %broadcast_in_dim3A_674 = vector.broadcast %squeeze3A_673 : f32 to vector<16xf32>
      %select_n3A_675 = arith.select %eq3A_671, %broadcast_in_dim3A_674, %select_n3A_667 : vector<16xi1>, vector<16xf32>
      %shift_right_arithmetic3A_676 = arith.constant 3 : i32
      %shift_right_arithmetic3A_677 = arith.shrsi %mul3A_255, %shift_right_arithmetic3A_676 : i32
      %mul3A_678 = arith.constant 16 : i32
      %mul3A_679 = arith.muli %shift_right_arithmetic3A_677, %mul3A_678 : i32
      %multiple_of3A_680 = tpu.assume_multiple %mul3A_679, 16 : i32
      %swap3A_681 = arith.index_cast %multiple_of3A_680 : i32 to index
      %swap3A_682 = tpu.vector_load %arg16[%swap3A_681] {strides = array<i32>} : memref<512xf32, #tpu.memory_space<vmem>>, vector<16xf32>,
      tpu.vector_store %arg16[%swap3A_681], %select_n3A_675 {strides = array<i32>} : memref<512xf32, #tpu.memory_space<vmem>>, vector<16xf32>,
      %dma_wait3A_683 = arith.constant 0 : i32
      %dma_wait3A_684 = arith.constant 0 : i32
      %dma_wait3A_685 = tpu.memref_slice %arg11[%dma_wait3A_683, %dma_wait3A_684] : memref<64x256xf32, #tpu.memory_space<vmem>> -> memref<64x128xf32, #tpu.memory_space<vmem>>
      %dma_wait3A_686 = arith.constant 0 : i32
      %dma_wait3A_687 = tpu.memref_slice %arg4[%dma_wait3A_686, %multiple_of3A_354] : memref<64x1000000xf32, #tpu.memory_space<hbm>> -> memref<64x128xf32, #tpu.memory_space<hbm>>
      %dma_wait3A_688 = arith.constant 0 : i32
      %dma_wait3A_689 = arith.constant 0 : i32
      %dma_wait3A_690 = tpu.memref_slice %arg11[%dma_wait3A_688, %dma_wait3A_689] : memref<64x256xf32, #tpu.memory_space<vmem>> -> memref<64x128xf32, #tpu.memory_space<vmem>>
      %dma_wait3A_691 = arith.constant 0 : i32
      %dma_wait3A_692 = tpu.memref_slice %arg4[%dma_wait3A_691, %multiple_of3A_354] : memref<64x1000000xf32, #tpu.memory_space<hbm>> -> memref<64x128xf32, #tpu.memory_space<hbm>>
      tpu.wait_dma2 semaphore(%arg18 : memref<!tpu.dma_semaphore, #tpu.memory_space<semaphore_mem>>) src(%dma_wait3A_692 : memref<64x128xf32, #tpu.memory_space<hbm>>) dst(%dma_wait3A_690 : memref<64x128xf32, #tpu.memory_space<vmem>>)
      %dma_wait3A_693 = arith.constant 0 : i32
      %dma_wait3A_694 = arith.constant 0 : i32
      %dma_wait3A_695 = tpu.memref_slice %arg12[%dma_wait3A_693, %dma_wait3A_694] : memref<64x256xf32, #tpu.memory_space<vmem>> -> memref<64x128xf32, #tpu.memory_space<vmem>>
      %dma_wait3A_696 = arith.constant 0 : i32
      %dma_wait3A_697 = tpu.memref_slice %arg5[%dma_wait3A_696, %multiple_of3A_359] : memref<64x1000000xf32, #tpu.memory_space<hbm>> -> memref<64x128xf32, #tpu.memory_space<hbm>>
      %dma_wait3A_698 = arith.constant 0 : i32
      %dma_wait3A_699 = arith.constant 0 : i32
      %dma_wait3A_700 = tpu.memref_slice %arg12[%dma_wait3A_698, %dma_wait3A_699] : memref<64x256xf32, #tpu.memory_space<vmem>> -> memref<64x128xf32, #tpu.memory_space<vmem>>
      %dma_wait3A_701 = arith.constant 0 : i32
      %dma_wait3A_702 = tpu.memref_slice %arg5[%dma_wait3A_701, %multiple_of3A_359] : memref<64x1000000xf32, #tpu.memory_space<hbm>> -> memref<64x128xf32, #tpu.memory_space<hbm>>
      tpu.wait_dma2 semaphore(%arg18 : memref<!tpu.dma_semaphore, #tpu.memory_space<semaphore_mem>>) src(%dma_wait3A_702 : memref<64x128xf32, #tpu.memory_space<hbm>>) dst(%dma_wait3A_700 : memref<64x128xf32, #tpu.memory_space<vmem>>)
      %dma_wait3A_703 = arith.constant 0 : i32
      %dma_wait3A_704 = arith.constant 128 : i32
      %dma_wait3A_705 = tpu.memref_slice %arg11[%dma_wait3A_703, %dma_wait3A_704] : memref<64x256xf32, #tpu.memory_space<vmem>> -> memref<64x128xf32, #tpu.memory_space<vmem>>
      %dma_wait3A_706 = arith.constant 0 : i32
      %dma_wait3A_707 = tpu.memref_slice %arg4[%dma_wait3A_706, %multiple_of3A_384] : memref<64x1000000xf32, #tpu.memory_space<hbm>> -> memref<64x128xf32, #tpu.memory_space<hbm>>
      %dma_wait3A_708 = arith.constant 0 : i32
      %dma_wait3A_709 = arith.constant 128 : i32
      %dma_wait3A_710 = tpu.memref_slice %arg11[%dma_wait3A_708, %dma_wait3A_709] : memref<64x256xf32, #tpu.memory_space<vmem>> -> memref<64x128xf32, #tpu.memory_space<vmem>>
      %dma_wait3A_711 = arith.constant 0 : i32
      %dma_wait3A_712 = tpu.memref_slice %arg4[%dma_wait3A_711, %multiple_of3A_384] : memref<64x1000000xf32, #tpu.memory_space<hbm>> -> memref<64x128xf32, #tpu.memory_space<hbm>>
      tpu.wait_dma2 semaphore(%arg18 : memref<!tpu.dma_semaphore, #tpu.memory_space<semaphore_mem>>) src(%dma_wait3A_712 : memref<64x128xf32, #tpu.memory_space<hbm>>) dst(%dma_wait3A_710 : memref<64x128xf32, #tpu.memory_space<vmem>>)
      %dma_wait3A_713 = arith.constant 0 : i32
      %dma_wait3A_714 = arith.constant 128 : i32
      %dma_wait3A_715 = tpu.memref_slice %arg12[%dma_wait3A_713, %dma_wait3A_714] : memref<64x256xf32, #tpu.memory_space<vmem>> -> memref<64x128xf32, #tpu.memory_space<vmem>>
      %dma_wait3A_716 = arith.constant 0 : i32
      %dma_wait3A_717 = tpu.memref_slice %arg5[%dma_wait3A_716, %multiple_of3A_389] : memref<64x1000000xf32, #tpu.memory_space<hbm>> -> memref<64x128xf32, #tpu.memory_space<hbm>>
      %dma_wait3A_718 = arith.constant 0 : i32
      %dma_wait3A_719 = arith.constant 128 : i32
      %dma_wait3A_720 = tpu.memref_slice %arg12[%dma_wait3A_718, %dma_wait3A_719] : memref<64x256xf32, #tpu.memory_space<vmem>> -> memref<64x128xf32, #tpu.memory_space<vmem>>
      %dma_wait3A_721 = arith.constant 0 : i32
      %dma_wait3A_722 = tpu.memref_slice %arg5[%dma_wait3A_721, %multiple_of3A_389] : memref<64x1000000xf32, #tpu.memory_space<hbm>> -> memref<64x128xf32, #tpu.memory_space<hbm>>
      tpu.wait_dma2 semaphore(%arg18 : memref<!tpu.dma_semaphore, #tpu.memory_space<semaphore_mem>>) src(%dma_wait3A_722 : memref<64x128xf32, #tpu.memory_space<hbm>>) dst(%dma_wait3A_720 : memref<64x128xf32, #tpu.memory_space<vmem>>)
      %add3A_723 = arith.constant 1 : i32
      %add3A_724 = arith.addi %mul3A_255, %add3A_723 : i32
      %and3A_725 = arith.constant 7 : i32
      %and3A_726 = arith.andi %add3A_724, %and3A_725 : i32
      %eq3A_727 = arith.constant 0 : i32
      %eq3A_728 = arith.cmpi eq, %and3A_726, %eq3A_727 : i32
      %broadcast_in_dim3A_729 = arith.constant 0.000000e+00 : f32
      %broadcast_in_dim3A_730 = vector.broadcast %broadcast_in_dim3A_729 : f32 to vector<16xf32>
      %select_n3A_731 = arith.select %eq3A_728, %broadcast_in_dim3A_730, %select_n3A_675 : vector<16xf32>
      %mul3A_732 = arith.constant 2 : i32
      %mul3A_733 = arith.muli %mul3A_732, %add3A_724 : i32
      %get3A_734 = arith.index_cast %mul3A_733 : i32 to index
      %get3A_735 = tpu.vector_load %arg7[%get3A_734] {strides = array<i32>} : memref<528xi32, #tpu.memory_space<vmem>>, vector<16xi32>,
      %mul3A_736 = arith.constant 2 : i32
      %mul3A_737 = arith.muli %mul3A_736, %add3A_724 : i32
      %get3A_738 = arith.index_cast %mul3A_737 : i32 to index
      %get3A_739 = tpu.vector_load %arg8[%get3A_738] {strides = array<i32>} : memref<528xi32, #tpu.memory_space<vmem>>, vector<16xi32>,
      %slice3A_740 = vector.extract_strided_slice %get3A_735 {offsets = [0], sizes = [1], strides = [1]} : vector<16xi32> to vector<1xi32>
      %squeeze3A_741 = vector.extract %slice3A_740[0] : i32 from vector<1xi32>
      %slice3A_742 = vector.extract_strided_slice %get3A_735 {offsets = [1], sizes = [1], strides = [1]} : vector<16xi32> to vector<1xi32>
      %squeeze3A_743 = vector.extract %slice3A_742[0] : i32 from vector<1xi32>
      %slice3A_744 = vector.extract_strided_slice %get3A_739 {offsets = [0], sizes = [1], strides = [1]} : vector<16xi32> to vector<1xi32>
      %squeeze3A_745 = vector.extract %slice3A_744[0] : i32 from vector<1xi32>
      %slice3A_746 = vector.extract_strided_slice %get3A_739 {offsets = [1], sizes = [1], strides = [1]} : vector<16xi32> to vector<1xi32>
      %squeeze3A_747 = vector.extract %slice3A_746[0] : i32 from vector<1xi32>
      %shift_left3A_748 = arith.constant 7 : i32
      %shift_left3A_749 = vector.broadcast %shift_left3A_748 : i32 to vector<16xi32>
      %shift_left3A_750 = arith.shli %shift_right_arithmetic3A_6, %shift_left3A_749 : vector<16xi32>
      %lt3A_751 = arith.constant 8 : i32
      %lt3A_752 = vector.broadcast %lt3A_751 : i32 to vector<16xi32>
      %lt3A_753 = arith.cmpi slt, %iota3A, %lt3A_752 : vector<16xi32>
      %and3A_754 = arith.constant 127 : i32
      %and3A_755 = arith.andi %squeeze3A_741, %and3A_754 : i32
      %and3A_756 = arith.constant 127 : i32
      %and3A_757 = arith.andi %squeeze3A_743, %and3A_756 : i32
      %broadcast_in_dim3A_758 = vector.broadcast %and3A_755 : i32 to vector<16xi32>
      %broadcast_in_dim3A_759 = vector.broadcast %and3A_757 : i32 to vector<16xi32>
      %select_n3A_760 = arith.select %lt3A_753, %broadcast_in_dim3A_758, %broadcast_in_dim3A_759 : vector<16xi1>, vector<16xi32>
      %add3A_761 = arith.addi %shift_left3A_750, %select_n3A_760 : vector<16xi32>
      %shift_left3A_762 = arith.constant 7 : i32
      %shift_left3A_763 = vector.broadcast %shift_left3A_762 : i32 to vector<16xi32>
      %shift_left3A_764 = arith.shli %shift_right_arithmetic3A_6, %shift_left3A_763 : vector<16xi32>
      %lt3A_765 = arith.constant 8 : i32
      %lt3A_766 = vector.broadcast %lt3A_765 : i32 to vector<16xi32>
      %lt3A_767 = arith.cmpi slt, %iota3A, %lt3A_766 : vector<16xi32>
      %and3A_768 = arith.constant 127 : i32
      %and3A_769 = arith.andi %squeeze3A_745, %and3A_768 : i32
      %and3A_770 = arith.constant 127 : i32
      %and3A_771 = arith.andi %squeeze3A_747, %and3A_770 : i32
      %broadcast_in_dim3A_772 = vector.broadcast %and3A_769 : i32 to vector<16xi32>
      %broadcast_in_dim3A_773 = vector.broadcast %and3A_771 : i32 to vector<16xi32>
      %select_n3A_774 = arith.select %lt3A_767, %broadcast_in_dim3A_772, %broadcast_in_dim3A_773 : vector<16xi1>, vector<16xi32>
      %add3A_775 = arith.addi %shift_left3A_764, %select_n3A_774 : vector<16xi32>
      %broadcast_in_dim3A_776 = arith.constant 0.000000e+00 : f32
      %broadcast_in_dim3A_777 = vector.broadcast %broadcast_in_dim3A_776 : f32 to vector<16xf32>
      %add3A_778 = arith.constant 0 : i32
      %add3A_779 = vector.broadcast %add3A_778 : i32 to vector<16xi32>
      %add3A_780 = arith.addi %add3A_779, %and3A_4 : vector<16xi32>
      %gather3A_781 = tpu.vector_load_idx %arg11[%add3A_780, %add3A_761] : memref<64x256xf32, #tpu.memory_space<vmem>>[vector<16xi32>, vector<16xi32>], vector<16xf32>,
      %gather3A_782 = tpu.vector_load_idx %arg12[%add3A_780, %add3A_775] : memref<64x256xf32, #tpu.memory_space<vmem>>[vector<16xi32>, vector<16xi32>], vector<16xf32>,
      %mul3A_783 = arith.mulf %gather3A_781, %gather3A_782 : vector<16xf32>
      %add3A_784 = arith.addf %broadcast_in_dim3A_777, %mul3A_783 : vector<16xf32>
      %add3A_785 = arith.constant 8 : i32
      %add3A_786 = vector.broadcast %add3A_785 : i32 to vector<16xi32>
      %add3A_787 = arith.addi %add3A_786, %and3A_4 : vector<16xi32>
      %gather3A_788 = tpu.vector_load_idx %arg11[%add3A_787, %add3A_761] : memref<64x256xf32, #tpu.memory_space<vmem>>[vector<16xi32>, vector<16xi32>], vector<16xf32>,
      %gather3A_789 = tpu.vector_load_idx %arg12[%add3A_787, %add3A_775] : memref<64x256xf32, #tpu.memory_space<vmem>>[vector<16xi32>, vector<16xi32>], vector<16xf32>,
      %mul3A_790 = arith.mulf %gather3A_788, %gather3A_789 : vector<16xf32>
      %add3A_791 = arith.addf %add3A_784, %mul3A_790 : vector<16xf32>
      %add3A_792 = arith.constant 16 : i32
      %add3A_793 = vector.broadcast %add3A_792 : i32 to vector<16xi32>
      %add3A_794 = arith.addi %add3A_793, %and3A_4 : vector<16xi32>
      %gather3A_795 = tpu.vector_load_idx %arg11[%add3A_794, %add3A_761] : memref<64x256xf32, #tpu.memory_space<vmem>>[vector<16xi32>, vector<16xi32>], vector<16xf32>,
      %gather3A_796 = tpu.vector_load_idx %arg12[%add3A_794, %add3A_775] : memref<64x256xf32, #tpu.memory_space<vmem>>[vector<16xi32>, vector<16xi32>], vector<16xf32>,
      %mul3A_797 = arith.mulf %gather3A_795, %gather3A_796 : vector<16xf32>
      %add3A_798 = arith.addf %add3A_791, %mul3A_797 : vector<16xf32>
      %add3A_799 = arith.constant 24 : i32
      %add3A_800 = vector.broadcast %add3A_799 : i32 to vector<16xi32>
      %add3A_801 = arith.addi %add3A_800, %and3A_4 : vector<16xi32>
      %gather3A_802 = tpu.vector_load_idx %arg11[%add3A_801, %add3A_761] : memref<64x256xf32, #tpu.memory_space<vmem>>[vector<16xi32>, vector<16xi32>], vector<16xf32>,
      %gather3A_803 = tpu.vector_load_idx %arg12[%add3A_801, %add3A_775] : memref<64x256xf32, #tpu.memory_space<vmem>>[vector<16xi32>, vector<16xi32>], vector<16xf32>,
      %mul3A_804 = arith.mulf %gather3A_802, %gather3A_803 : vector<16xf32>
      %add3A_805 = arith.addf %add3A_798, %mul3A_804 : vector<16xf32>
      %add3A_806 = arith.constant 32 : i32
      %add3A_807 = vector.broadcast %add3A_806 : i32 to vector<16xi32>
      %add3A_808 = arith.addi %add3A_807, %and3A_4 : vector<16xi32>
      %gather3A_809 = tpu.vector_load_idx %arg11[%add3A_808, %add3A_761] : memref<64x256xf32, #tpu.memory_space<vmem>>[vector<16xi32>, vector<16xi32>], vector<16xf32>,
      %gather3A_810 = tpu.vector_load_idx %arg12[%add3A_808, %add3A_775] : memref<64x256xf32, #tpu.memory_space<vmem>>[vector<16xi32>, vector<16xi32>], vector<16xf32>,
      %mul3A_811 = arith.mulf %gather3A_809, %gather3A_810 : vector<16xf32>
      %add3A_812 = arith.addf %add3A_805, %mul3A_811 : vector<16xf32>
      %add3A_813 = arith.constant 40 : i32
      %add3A_814 = vector.broadcast %add3A_813 : i32 to vector<16xi32>
      %add3A_815 = arith.addi %add3A_814, %and3A_4 : vector<16xi32>
      %gather3A_816 = tpu.vector_load_idx %arg11[%add3A_815, %add3A_761] : memref<64x256xf32, #tpu.memory_space<vmem>>[vector<16xi32>, vector<16xi32>], vector<16xf32>,
      %gather3A_817 = tpu.vector_load_idx %arg12[%add3A_815, %add3A_775] : memref<64x256xf32, #tpu.memory_space<vmem>>[vector<16xi32>, vector<16xi32>], vector<16xf32>,
      %mul3A_818 = arith.mulf %gather3A_816, %gather3A_817 : vector<16xf32>
      %add3A_819 = arith.addf %add3A_812, %mul3A_818 : vector<16xf32>
      %add3A_820 = arith.constant 48 : i32
      %add3A_821 = vector.broadcast %add3A_820 : i32 to vector<16xi32>
      %add3A_822 = arith.addi %add3A_821, %and3A_4 : vector<16xi32>
      %gather3A_823 = tpu.vector_load_idx %arg11[%add3A_822, %add3A_761] : memref<64x256xf32, #tpu.memory_space<vmem>>[vector<16xi32>, vector<16xi32>], vector<16xf32>,
      %gather3A_824 = tpu.vector_load_idx %arg12[%add3A_822, %add3A_775] : memref<64x256xf32, #tpu.memory_space<vmem>>[vector<16xi32>, vector<16xi32>], vector<16xf32>,
      %mul3A_825 = arith.mulf %gather3A_823, %gather3A_824 : vector<16xf32>
      %add3A_826 = arith.addf %add3A_819, %mul3A_825 : vector<16xf32>
      %add3A_827 = arith.constant 56 : i32
      %add3A_828 = vector.broadcast %add3A_827 : i32 to vector<16xi32>
      %add3A_829 = arith.addi %add3A_828, %and3A_4 : vector<16xi32>
      %gather3A_830 = tpu.vector_load_idx %arg11[%add3A_829, %add3A_761] : memref<64x256xf32, #tpu.memory_space<vmem>>[vector<16xi32>, vector<16xi32>], vector<16xf32>,
      %gather3A_831 = tpu.vector_load_idx %arg12[%add3A_829, %add3A_775] : memref<64x256xf32, #tpu.memory_space<vmem>>[vector<16xi32>, vector<16xi32>], vector<16xf32>,
      %mul3A_832 = arith.mulf %gather3A_830, %gather3A_831 : vector<16xf32>
      %add3A_833 = arith.addf %add3A_826, %mul3A_832 : vector<16xf32>
      %swap3A_834 = arith.constant 0 : index
      %swap3A_835 = tpu.vector_load %arg15[%swap3A_834] {strides = array<i32>} : memref<16xf32, #tpu.memory_space<vmem>>, vector<16xf32>,
      tpu.vector_store %arg15[%swap3A_834], %add3A_833 {strides = array<i32>} : memref<16xf32, #tpu.memory_space<vmem>>, vector<16xf32>,
      %xor3A_836 = arith.constant 1 : i32
      %xor3A_837 = vector.broadcast %xor3A_836 : i32 to vector<16xi32>
      %xor3A_838 = arith.xori %iota3A, %xor3A_837 : vector<16xi32>
      %gather3A_839 = tpu.vector_load_idx %arg15[%xor3A_838] : memref<16xf32, #tpu.memory_space<vmem>>[vector<16xi32>], vector<16xf32>,
      %add3A_840 = arith.addf %add3A_833, %gather3A_839 : vector<16xf32>
      %swap3A_841 = arith.constant 0 : index
      %swap3A_842 = tpu.vector_load %arg15[%swap3A_841] {strides = array<i32>} : memref<16xf32, #tpu.memory_space<vmem>>, vector<16xf32>,
      tpu.vector_store %arg15[%swap3A_841], %add3A_840 {strides = array<i32>} : memref<16xf32, #tpu.memory_space<vmem>>, vector<16xf32>,
      %xor3A_843 = arith.constant 2 : i32
      %xor3A_844 = vector.broadcast %xor3A_843 : i32 to vector<16xi32>
      %xor3A_845 = arith.xori %iota3A, %xor3A_844 : vector<16xi32>
      %gather3A_846 = tpu.vector_load_idx %arg15[%xor3A_845] : memref<16xf32, #tpu.memory_space<vmem>>[vector<16xi32>], vector<16xf32>,
      %add3A_847 = arith.addf %add3A_840, %gather3A_846 : vector<16xf32>
      %swap3A_848 = arith.constant 0 : index
      %swap3A_849 = tpu.vector_load %arg15[%swap3A_848] {strides = array<i32>} : memref<16xf32, #tpu.memory_space<vmem>>, vector<16xf32>,
      tpu.vector_store %arg15[%swap3A_848], %add3A_847 {strides = array<i32>} : memref<16xf32, #tpu.memory_space<vmem>>, vector<16xf32>,
      %xor3A_850 = arith.constant 4 : i32
      %xor3A_851 = vector.broadcast %xor3A_850 : i32 to vector<16xi32>
      %xor3A_852 = arith.xori %iota3A, %xor3A_851 : vector<16xi32>
      %gather3A_853 = tpu.vector_load_idx %arg15[%xor3A_852] : memref<16xf32, #tpu.memory_space<vmem>>[vector<16xi32>], vector<16xf32>,
      %add3A_854 = arith.addf %add3A_847, %gather3A_853 : vector<16xf32>
      %and3A_855 = arith.constant 7 : i32
      %and3A_856 = arith.andi %add3A_724, %and3A_855 : i32
      %mul3A_857 = arith.constant 2 : i32
      %mul3A_858 = arith.muli %and3A_856, %mul3A_857 : i32
      %eq3A_859 = vector.broadcast %mul3A_858 : i32 to vector<16xi32>
      %eq3A_860 = arith.cmpi eq, %iota3A, %eq3A_859 : vector<16xi32>
      %slice3A_861 = vector.extract_strided_slice %add3A_854 {offsets = [0], sizes = [1], strides = [1]} : vector<16xf32> to vector<1xf32>
      %squeeze3A_862 = vector.extract %slice3A_861[0] : f32 from vector<1xf32>
      %broadcast_in_dim3A_863 = vector.broadcast %squeeze3A_862 : f32 to vector<16xf32>
      %select_n3A_864 = arith.select %eq3A_860, %broadcast_in_dim3A_863, %select_n3A_731 : vector<16xi1>, vector<16xf32>
      %add3A_865 = arith.constant 1 : i32
      %add3A_866 = arith.addi %mul3A_858, %add3A_865 : i32
      %eq3A_867 = vector.broadcast %add3A_866 : i32 to vector<16xi32>
      %eq3A_868 = arith.cmpi eq, %iota3A, %eq3A_867 : vector<16xi32>
      %slice3A_869 = vector.extract_strided_slice %add3A_854 {offsets = [8], sizes = [1], strides = [1]} : vector<16xf32> to vector<1xf32>
      %squeeze3A_870 = vector.extract %slice3A_869[0] : f32 from vector<1xf32>
      %broadcast_in_dim3A_871 = vector.broadcast %squeeze3A_870 : f32 to vector<16xf32>
      %select_n3A_872 = arith.select %eq3A_868, %broadcast_in_dim3A_871, %select_n3A_864 : vector<16xi1>, vector<16xf32>
      %shift_right_arithmetic3A_873 = arith.constant 3 : i32
      %shift_right_arithmetic3A_874 = arith.shrsi %add3A_724, %shift_right_arithmetic3A_873 : i32
      %mul3A_875 = arith.constant 16 : i32
      %mul3A_876 = arith.muli %shift_right_arithmetic3A_874, %mul3A_875 : i32
      %multiple_of3A_877 = tpu.assume_multiple %mul3A_876, 16 : i32
      %swap3A_878 = arith.index_cast %multiple_of3A_877 : i32 to index
      %swap3A_879 = tpu.vector_load %arg16[%swap3A_878] {strides = array<i32>} : memref<512xf32, #tpu.memory_space<vmem>>, vector<16xf32>,
      tpu.vector_store %arg16[%swap3A_878], %select_n3A_872 {strides = array<i32>} : memref<512xf32, #tpu.memory_space<vmem>>, vector<16xf32>,
      %dma_wait3A_880 = arith.constant 0 : i32
      %dma_wait3A_881 = arith.constant 0 : i32
      %dma_wait3A_882 = tpu.memref_slice %arg13[%dma_wait3A_880, %dma_wait3A_881] : memref<64x256xf32, #tpu.memory_space<vmem>> -> memref<64x128xf32, #tpu.memory_space<vmem>>
      %dma_wait3A_883 = arith.constant 0 : i32
      %dma_wait3A_884 = tpu.memref_slice %arg4[%dma_wait3A_883, %multiple_of3A_432] : memref<64x1000000xf32, #tpu.memory_space<hbm>> -> memref<64x128xf32, #tpu.memory_space<hbm>>
      %dma_wait3A_885 = arith.constant 0 : i32
      %dma_wait3A_886 = arith.constant 0 : i32
      %dma_wait3A_887 = tpu.memref_slice %arg13[%dma_wait3A_885, %dma_wait3A_886] : memref<64x256xf32, #tpu.memory_space<vmem>> -> memref<64x128xf32, #tpu.memory_space<vmem>>
      %dma_wait3A_888 = arith.constant 0 : i32
      %dma_wait3A_889 = tpu.memref_slice %arg4[%dma_wait3A_888, %multiple_of3A_432] : memref<64x1000000xf32, #tpu.memory_space<hbm>> -> memref<64x128xf32, #tpu.memory_space<hbm>>
      tpu.wait_dma2 semaphore(%arg19 : memref<!tpu.dma_semaphore, #tpu.memory_space<semaphore_mem>>) src(%dma_wait3A_889 : memref<64x128xf32, #tpu.memory_space<hbm>>) dst(%dma_wait3A_887 : memref<64x128xf32, #tpu.memory_space<vmem>>)
      %dma_wait3A_890 = arith.constant 0 : i32
      %dma_wait3A_891 = arith.constant 0 : i32
      %dma_wait3A_892 = tpu.memref_slice %arg14[%dma_wait3A_890, %dma_wait3A_891] : memref<64x256xf32, #tpu.memory_space<vmem>> -> memref<64x128xf32, #tpu.memory_space<vmem>>
      %dma_wait3A_893 = arith.constant 0 : i32
      %dma_wait3A_894 = tpu.memref_slice %arg5[%dma_wait3A_893, %multiple_of3A_437] : memref<64x1000000xf32, #tpu.memory_space<hbm>> -> memref<64x128xf32, #tpu.memory_space<hbm>>
      %dma_wait3A_895 = arith.constant 0 : i32
      %dma_wait3A_896 = arith.constant 0 : i32
      %dma_wait3A_897 = tpu.memref_slice %arg14[%dma_wait3A_895, %dma_wait3A_896] : memref<64x256xf32, #tpu.memory_space<vmem>> -> memref<64x128xf32, #tpu.memory_space<vmem>>
      %dma_wait3A_898 = arith.constant 0 : i32
      %dma_wait3A_899 = tpu.memref_slice %arg5[%dma_wait3A_898, %multiple_of3A_437] : memref<64x1000000xf32, #tpu.memory_space<hbm>> -> memref<64x128xf32, #tpu.memory_space<hbm>>
      tpu.wait_dma2 semaphore(%arg19 : memref<!tpu.dma_semaphore, #tpu.memory_space<semaphore_mem>>) src(%dma_wait3A_899 : memref<64x128xf32, #tpu.memory_space<hbm>>) dst(%dma_wait3A_897 : memref<64x128xf32, #tpu.memory_space<vmem>>)
      %dma_wait3A_900 = arith.constant 0 : i32
      %dma_wait3A_901 = arith.constant 128 : i32
      %dma_wait3A_902 = tpu.memref_slice %arg13[%dma_wait3A_900, %dma_wait3A_901] : memref<64x256xf32, #tpu.memory_space<vmem>> -> memref<64x128xf32, #tpu.memory_space<vmem>>
      %dma_wait3A_903 = arith.constant 0 : i32
      %dma_wait3A_904 = tpu.memref_slice %arg4[%dma_wait3A_903, %multiple_of3A_462] : memref<64x1000000xf32, #tpu.memory_space<hbm>> -> memref<64x128xf32, #tpu.memory_space<hbm>>
      %dma_wait3A_905 = arith.constant 0 : i32
      %dma_wait3A_906 = arith.constant 128 : i32
      %dma_wait3A_907 = tpu.memref_slice %arg13[%dma_wait3A_905, %dma_wait3A_906] : memref<64x256xf32, #tpu.memory_space<vmem>> -> memref<64x128xf32, #tpu.memory_space<vmem>>
      %dma_wait3A_908 = arith.constant 0 : i32
      %dma_wait3A_909 = tpu.memref_slice %arg4[%dma_wait3A_908, %multiple_of3A_462] : memref<64x1000000xf32, #tpu.memory_space<hbm>> -> memref<64x128xf32, #tpu.memory_space<hbm>>
      tpu.wait_dma2 semaphore(%arg19 : memref<!tpu.dma_semaphore, #tpu.memory_space<semaphore_mem>>) src(%dma_wait3A_909 : memref<64x128xf32, #tpu.memory_space<hbm>>) dst(%dma_wait3A_907 : memref<64x128xf32, #tpu.memory_space<vmem>>)
      %dma_wait3A_910 = arith.constant 0 : i32
      %dma_wait3A_911 = arith.constant 128 : i32
      %dma_wait3A_912 = tpu.memref_slice %arg14[%dma_wait3A_910, %dma_wait3A_911] : memref<64x256xf32, #tpu.memory_space<vmem>> -> memref<64x128xf32, #tpu.memory_space<vmem>>
      %dma_wait3A_913 = arith.constant 0 : i32
      %dma_wait3A_914 = tpu.memref_slice %arg5[%dma_wait3A_913, %multiple_of3A_467] : memref<64x1000000xf32, #tpu.memory_space<hbm>> -> memref<64x128xf32, #tpu.memory_space<hbm>>
      %dma_wait3A_915 = arith.constant 0 : i32
      %dma_wait3A_916 = arith.constant 128 : i32
      %dma_wait3A_917 = tpu.memref_slice %arg14[%dma_wait3A_915, %dma_wait3A_916] : memref<64x256xf32, #tpu.memory_space<vmem>> -> memref<64x128xf32, #tpu.memory_space<vmem>>
      %dma_wait3A_918 = arith.constant 0 : i32
      %dma_wait3A_919 = tpu.memref_slice %arg5[%dma_wait3A_918, %multiple_of3A_467] : memref<64x1000000xf32, #tpu.memory_space<hbm>> -> memref<64x128xf32, #tpu.memory_space<hbm>>
      tpu.wait_dma2 semaphore(%arg19 : memref<!tpu.dma_semaphore, #tpu.memory_space<semaphore_mem>>) src(%dma_wait3A_919 : memref<64x128xf32, #tpu.memory_space<hbm>>) dst(%dma_wait3A_917 : memref<64x128xf32, #tpu.memory_space<vmem>>)
      %add3A_920 = arith.constant 2 : i32
      %add3A_921 = arith.addi %mul3A_255, %add3A_920 : i32
      %and3A_922 = arith.constant 7 : i32
      %and3A_923 = arith.andi %add3A_921, %and3A_922 : i32
      %eq3A_924 = arith.constant 0 : i32
      %eq3A_925 = arith.cmpi eq, %and3A_923, %eq3A_924 : i32
      %broadcast_in_dim3A_926 = arith.constant 0.000000e+00 : f32
      %broadcast_in_dim3A_927 = vector.broadcast %broadcast_in_dim3A_926 : f32 to vector<16xf32>
      %select_n3A_928 = arith.select %eq3A_925, %broadcast_in_dim3A_927, %select_n3A_872 : vector<16xf32>
      %mul3A_929 = arith.constant 2 : i32
      %mul3A_930 = arith.muli %mul3A_929, %add3A_921 : i32
      %get3A_931 = arith.index_cast %mul3A_930 : i32 to index
      %get3A_932 = tpu.vector_load %arg7[%get3A_931] {strides = array<i32>} : memref<528xi32, #tpu.memory_space<vmem>>, vector<16xi32>,
      %mul3A_933 = arith.constant 2 : i32
      %mul3A_934 = arith.muli %mul3A_933, %add3A_921 : i32
      %get3A_935 = arith.index_cast %mul3A_934 : i32 to index
      %get3A_936 = tpu.vector_load %arg8[%get3A_935] {strides = array<i32>} : memref<528xi32, #tpu.memory_space<vmem>>, vector<16xi32>,
      %slice3A_937 = vector.extract_strided_slice %get3A_932 {offsets = [0], sizes = [1], strides = [1]} : vector<16xi32> to vector<1xi32>
      %squeeze3A_938 = vector.extract %slice3A_937[0] : i32 from vector<1xi32>
      %slice3A_939 = vector.extract_strided_slice %get3A_932 {offsets = [1], sizes = [1], strides = [1]} : vector<16xi32> to vector<1xi32>
      %squeeze3A_940 = vector.extract %slice3A_939[0] : i32 from vector<1xi32>
      %slice3A_941 = vector.extract_strided_slice %get3A_936 {offsets = [0], sizes = [1], strides = [1]} : vector<16xi32> to vector<1xi32>
      %squeeze3A_942 = vector.extract %slice3A_941[0] : i32 from vector<1xi32>
      %slice3A_943 = vector.extract_strided_slice %get3A_936 {offsets = [1], sizes = [1], strides = [1]} : vector<16xi32> to vector<1xi32>
      %squeeze3A_944 = vector.extract %slice3A_943[0] : i32 from vector<1xi32>
      %shift_left3A_945 = arith.constant 7 : i32
      %shift_left3A_946 = vector.broadcast %shift_left3A_945 : i32 to vector<16xi32>
      %shift_left3A_947 = arith.shli %shift_right_arithmetic3A_6, %shift_left3A_946 : vector<16xi32>
      %lt3A_948 = arith.constant 8 : i32
      %lt3A_949 = vector.broadcast %lt3A_948 : i32 to vector<16xi32>
      %lt3A_950 = arith.cmpi slt, %iota3A, %lt3A_949 : vector<16xi32>
      %and3A_951 = arith.constant 127 : i32
      %and3A_952 = arith.andi %squeeze3A_938, %and3A_951 : i32
      %and3A_953 = arith.constant 127 : i32
      %and3A_954 = arith.andi %squeeze3A_940, %and3A_953 : i32
      %broadcast_in_dim3A_955 = vector.broadcast %and3A_952 : i32 to vector<16xi32>
      %broadcast_in_dim3A_956 = vector.broadcast %and3A_954 : i32 to vector<16xi32>
      %select_n3A_957 = arith.select %lt3A_950, %broadcast_in_dim3A_955, %broadcast_in_dim3A_956 : vector<16xi1>, vector<16xi32>
      %add3A_958 = arith.addi %shift_left3A_947, %select_n3A_957 : vector<16xi32>
      %shift_left3A_959 = arith.constant 7 : i32
      %shift_left3A_960 = vector.broadcast %shift_left3A_959 : i32 to vector<16xi32>
      %shift_left3A_961 = arith.shli %shift_right_arithmetic3A_6, %shift_left3A_960 : vector<16xi32>
      %lt3A_962 = arith.constant 8 : i32
      %lt3A_963 = vector.broadcast %lt3A_962 : i32 to vector<16xi32>
      %lt3A_964 = arith.cmpi slt, %iota3A, %lt3A_963 : vector<16xi32>
      %and3A_965 = arith.constant 127 : i32
      %and3A_966 = arith.andi %squeeze3A_942, %and3A_965 : i32
      %and3A_967 = arith.constant 127 : i32
      %and3A_968 = arith.andi %squeeze3A_944, %and3A_967 : i32
      %broadcast_in_dim3A_969 = vector.broadcast %and3A_966 : i32 to vector<16xi32>
      %broadcast_in_dim3A_970 = vector.broadcast %and3A_968 : i32 to vector<16xi32>
      %select_n3A_971 = arith.select %lt3A_964, %broadcast_in_dim3A_969, %broadcast_in_dim3A_970 : vector<16xi1>, vector<16xi32>
      %add3A_972 = arith.addi %shift_left3A_961, %select_n3A_971 : vector<16xi32>
      %broadcast_in_dim3A_973 = arith.constant 0.000000e+00 : f32
      %broadcast_in_dim3A_974 = vector.broadcast %broadcast_in_dim3A_973 : f32 to vector<16xf32>
      %add3A_975 = arith.constant 0 : i32
      %add3A_976 = vector.broadcast %add3A_975 : i32 to vector<16xi32>
      %add3A_977 = arith.addi %add3A_976, %and3A_4 : vector<16xi32>
      %gather3A_978 = tpu.vector_load_idx %arg13[%add3A_977, %add3A_958] : memref<64x256xf32, #tpu.memory_space<vmem>>[vector<16xi32>, vector<16xi32>], vector<16xf32>,
      %gather3A_979 = tpu.vector_load_idx %arg14[%add3A_977, %add3A_972] : memref<64x256xf32, #tpu.memory_space<vmem>>[vector<16xi32>, vector<16xi32>], vector<16xf32>,
      %mul3A_980 = arith.mulf %gather3A_978, %gather3A_979 : vector<16xf32>
      %add3A_981 = arith.addf %broadcast_in_dim3A_974, %mul3A_980 : vector<16xf32>
      %add3A_982 = arith.constant 8 : i32
      %add3A_983 = vector.broadcast %add3A_982 : i32 to vector<16xi32>
      %add3A_984 = arith.addi %add3A_983, %and3A_4 : vector<16xi32>
      %gather3A_985 = tpu.vector_load_idx %arg13[%add3A_984, %add3A_958] : memref<64x256xf32, #tpu.memory_space<vmem>>[vector<16xi32>, vector<16xi32>], vector<16xf32>,
      %gather3A_986 = tpu.vector_load_idx %arg14[%add3A_984, %add3A_972] : memref<64x256xf32, #tpu.memory_space<vmem>>[vector<16xi32>, vector<16xi32>], vector<16xf32>,
      %mul3A_987 = arith.mulf %gather3A_985, %gather3A_986 : vector<16xf32>
      %add3A_988 = arith.addf %add3A_981, %mul3A_987 : vector<16xf32>
      %add3A_989 = arith.constant 16 : i32
      %add3A_990 = vector.broadcast %add3A_989 : i32 to vector<16xi32>
      %add3A_991 = arith.addi %add3A_990, %and3A_4 : vector<16xi32>
      %gather3A_992 = tpu.vector_load_idx %arg13[%add3A_991, %add3A_958] : memref<64x256xf32, #tpu.memory_space<vmem>>[vector<16xi32>, vector<16xi32>], vector<16xf32>,
      %gather3A_993 = tpu.vector_load_idx %arg14[%add3A_991, %add3A_972] : memref<64x256xf32, #tpu.memory_space<vmem>>[vector<16xi32>, vector<16xi32>], vector<16xf32>,
      %mul3A_994 = arith.mulf %gather3A_992, %gather3A_993 : vector<16xf32>
      %add3A_995 = arith.addf %add3A_988, %mul3A_994 : vector<16xf32>
      %add3A_996 = arith.constant 24 : i32
      %add3A_997 = vector.broadcast %add3A_996 : i32 to vector<16xi32>
      %add3A_998 = arith.addi %add3A_997, %and3A_4 : vector<16xi32>
      %gather3A_999 = tpu.vector_load_idx %arg13[%add3A_998, %add3A_958] : memref<64x256xf32, #tpu.memory_space<vmem>>[vector<16xi32>, vector<16xi32>], vector<16xf32>,
      %gather3A_1000 = tpu.vector_load_idx %arg14[%add3A_998, %add3A_972] : memref<64x256xf32, #tpu.memory_space<vmem>>[vector<16xi32>, vector<16xi32>], vector<16xf32>,
      %mul3A_1001 = arith.mulf %gather3A_999, %gather3A_1000 : vector<16xf32>
      %add3A_1002 = arith.addf %add3A_995, %mul3A_1001 : vector<16xf32>
      %add3A_1003 = arith.constant 32 : i32
      %add3A_1004 = vector.broadcast %add3A_1003 : i32 to vector<16xi32>
      %add3A_1005 = arith.addi %add3A_1004, %and3A_4 : vector<16xi32>
      %gather3A_1006 = tpu.vector_load_idx %arg13[%add3A_1005, %add3A_958] : memref<64x256xf32, #tpu.memory_space<vmem>>[vector<16xi32>, vector<16xi32>], vector<16xf32>,
      %gather3A_1007 = tpu.vector_load_idx %arg14[%add3A_1005, %add3A_972] : memref<64x256xf32, #tpu.memory_space<vmem>>[vector<16xi32>, vector<16xi32>], vector<16xf32>,
      %mul3A_1008 = arith.mulf %gather3A_1006, %gather3A_1007 : vector<16xf32>
      %add3A_1009 = arith.addf %add3A_1002, %mul3A_1008 : vector<16xf32>
      %add3A_1010 = arith.constant 40 : i32
      %add3A_1011 = vector.broadcast %add3A_1010 : i32 to vector<16xi32>
      %add3A_1012 = arith.addi %add3A_1011, %and3A_4 : vector<16xi32>
      %gather3A_1013 = tpu.vector_load_idx %arg13[%add3A_1012, %add3A_958] : memref<64x256xf32, #tpu.memory_space<vmem>>[vector<16xi32>, vector<16xi32>], vector<16xf32>,
      %gather3A_1014 = tpu.vector_load_idx %arg14[%add3A_1012, %add3A_972] : memref<64x256xf32, #tpu.memory_space<vmem>>[vector<16xi32>, vector<16xi32>], vector<16xf32>,
      %mul3A_1015 = arith.mulf %gather3A_1013, %gather3A_1014 : vector<16xf32>
      %add3A_1016 = arith.addf %add3A_1009, %mul3A_1015 : vector<16xf32>
      %add3A_1017 = arith.constant 48 : i32
      %add3A_1018 = vector.broadcast %add3A_1017 : i32 to vector<16xi32>
      %add3A_1019 = arith.addi %add3A_1018, %and3A_4 : vector<16xi32>
      %gather3A_1020 = tpu.vector_load_idx %arg13[%add3A_1019, %add3A_958] : memref<64x256xf32, #tpu.memory_space<vmem>>[vector<16xi32>, vector<16xi32>], vector<16xf32>,
      %gather3A_1021 = tpu.vector_load_idx %arg14[%add3A_1019, %add3A_972] : memref<64x256xf32, #tpu.memory_space<vmem>>[vector<16xi32>, vector<16xi32>], vector<16xf32>,
      %mul3A_1022 = arith.mulf %gather3A_1020, %gather3A_1021 : vector<16xf32>
      %add3A_1023 = arith.addf %add3A_1016, %mul3A_1022 : vector<16xf32>
      %add3A_1024 = arith.constant 56 : i32
      %add3A_1025 = vector.broadcast %add3A_1024 : i32 to vector<16xi32>
      %add3A_1026 = arith.addi %add3A_1025, %and3A_4 : vector<16xi32>
      %gather3A_1027 = tpu.vector_load_idx %arg13[%add3A_1026, %add3A_958] : memref<64x256xf32, #tpu.memory_space<vmem>>[vector<16xi32>, vector<16xi32>], vector<16xf32>,
      %gather3A_1028 = tpu.vector_load_idx %arg14[%add3A_1026, %add3A_972] : memref<64x256xf32, #tpu.memory_space<vmem>>[vector<16xi32>, vector<16xi32>], vector<16xf32>,
      %mul3A_1029 = arith.mulf %gather3A_1027, %gather3A_1028 : vector<16xf32>
      %add3A_1030 = arith.addf %add3A_1023, %mul3A_1029 : vector<16xf32>
      %swap3A_1031 = arith.constant 0 : index
      %swap3A_1032 = tpu.vector_load %arg15[%swap3A_1031] {strides = array<i32>} : memref<16xf32, #tpu.memory_space<vmem>>, vector<16xf32>,
      tpu.vector_store %arg15[%swap3A_1031], %add3A_1030 {strides = array<i32>} : memref<16xf32, #tpu.memory_space<vmem>>, vector<16xf32>,
      %xor3A_1033 = arith.constant 1 : i32
      %xor3A_1034 = vector.broadcast %xor3A_1033 : i32 to vector<16xi32>
      %xor3A_1035 = arith.xori %iota3A, %xor3A_1034 : vector<16xi32>
      %gather3A_1036 = tpu.vector_load_idx %arg15[%xor3A_1035] : memref<16xf32, #tpu.memory_space<vmem>>[vector<16xi32>], vector<16xf32>,
      %add3A_1037 = arith.addf %add3A_1030, %gather3A_1036 : vector<16xf32>
      %swap3A_1038 = arith.constant 0 : index
      %swap3A_1039 = tpu.vector_load %arg15[%swap3A_1038] {strides = array<i32>} : memref<16xf32, #tpu.memory_space<vmem>>, vector<16xf32>,
      tpu.vector_store %arg15[%swap3A_1038], %add3A_1037 {strides = array<i32>} : memref<16xf32, #tpu.memory_space<vmem>>, vector<16xf32>,
      %xor3A_1040 = arith.constant 2 : i32
      %xor3A_1041 = vector.broadcast %xor3A_1040 : i32 to vector<16xi32>
      %xor3A_1042 = arith.xori %iota3A, %xor3A_1041 : vector<16xi32>
      %gather3A_1043 = tpu.vector_load_idx %arg15[%xor3A_1042] : memref<16xf32, #tpu.memory_space<vmem>>[vector<16xi32>], vector<16xf32>,
      %add3A_1044 = arith.addf %add3A_1037, %gather3A_1043 : vector<16xf32>
      %swap3A_1045 = arith.constant 0 : index
      %swap3A_1046 = tpu.vector_load %arg15[%swap3A_1045] {strides = array<i32>} : memref<16xf32, #tpu.memory_space<vmem>>, vector<16xf32>,
      tpu.vector_store %arg15[%swap3A_1045], %add3A_1044 {strides = array<i32>} : memref<16xf32, #tpu.memory_space<vmem>>, vector<16xf32>,
      %xor3A_1047 = arith.constant 4 : i32
      %xor3A_1048 = vector.broadcast %xor3A_1047 : i32 to vector<16xi32>
      %xor3A_1049 = arith.xori %iota3A, %xor3A_1048 : vector<16xi32>
      %gather3A_1050 = tpu.vector_load_idx %arg15[%xor3A_1049] : memref<16xf32, #tpu.memory_space<vmem>>[vector<16xi32>], vector<16xf32>,
      %add3A_1051 = arith.addf %add3A_1044, %gather3A_1050 : vector<16xf32>
      %and3A_1052 = arith.constant 7 : i32
      %and3A_1053 = arith.andi %add3A_921, %and3A_1052 : i32
      %mul3A_1054 = arith.constant 2 : i32
      %mul3A_1055 = arith.muli %and3A_1053, %mul3A_1054 : i32
      %eq3A_1056 = vector.broadcast %mul3A_1055 : i32 to vector<16xi32>
      %eq3A_1057 = arith.cmpi eq, %iota3A, %eq3A_1056 : vector<16xi32>
      %slice3A_1058 = vector.extract_strided_slice %add3A_1051 {offsets = [0], sizes = [1], strides = [1]} : vector<16xf32> to vector<1xf32>
      %squeeze3A_1059 = vector.extract %slice3A_1058[0] : f32 from vector<1xf32>
      %broadcast_in_dim3A_1060 = vector.broadcast %squeeze3A_1059 : f32 to vector<16xf32>
      %select_n3A_1061 = arith.select %eq3A_1057, %broadcast_in_dim3A_1060, %select_n3A_928 : vector<16xi1>, vector<16xf32>
      %add3A_1062 = arith.constant 1 : i32
      %add3A_1063 = arith.addi %mul3A_1055, %add3A_1062 : i32
      %eq3A_1064 = vector.broadcast %add3A_1063 : i32 to vector<16xi32>
      %eq3A_1065 = arith.cmpi eq, %iota3A, %eq3A_1064 : vector<16xi32>
      %slice3A_1066 = vector.extract_strided_slice %add3A_1051 {offsets = [8], sizes = [1], strides = [1]} : vector<16xf32> to vector<1xf32>
      %squeeze3A_1067 = vector.extract %slice3A_1066[0] : f32 from vector<1xf32>
      %broadcast_in_dim3A_1068 = vector.broadcast %squeeze3A_1067 : f32 to vector<16xf32>
      %select_n3A_1069 = arith.select %eq3A_1065, %broadcast_in_dim3A_1068, %select_n3A_1061 : vector<16xi1>, vector<16xf32>
      %shift_right_arithmetic3A_1070 = arith.constant 3 : i32
      %shift_right_arithmetic3A_1071 = arith.shrsi %add3A_921, %shift_right_arithmetic3A_1070 : i32
      %mul3A_1072 = arith.constant 16 : i32
      %mul3A_1073 = arith.muli %shift_right_arithmetic3A_1071, %mul3A_1072 : i32
      %multiple_of3A_1074 = tpu.assume_multiple %mul3A_1073, 16 : i32
      %swap3A_1075 = arith.index_cast %multiple_of3A_1074 : i32 to index
      %swap3A_1076 = tpu.vector_load %arg16[%swap3A_1075] {strides = array<i32>} : memref<512xf32, #tpu.memory_space<vmem>>, vector<16xf32>,
      tpu.vector_store %arg16[%swap3A_1075], %select_n3A_1069 {strides = array<i32>} : memref<512xf32, #tpu.memory_space<vmem>>, vector<16xf32>,
      scf.yield %select_n3A_1069 : vector<16xf32>
    }
    %scan3A_12 = arith.constant 85 : i32
    %get3A = arith.constant 510 : index
    %get3A_13 = tpu.vector_load %arg7[%get3A] {strides = array<i32>} : memref<528xi32, #tpu.memory_space<vmem>>, vector<16xi32>,
    %get3A_14 = arith.constant 510 : index
    %get3A_15 = tpu.vector_load %arg8[%get3A_14] {strides = array<i32>} : memref<528xi32, #tpu.memory_space<vmem>>, vector<16xi32>,
    %slice3A = vector.extract_strided_slice %get3A_13 {offsets = [0], sizes = [1], strides = [1]} : vector<16xi32> to vector<1xi32>
    %squeeze3A = vector.extract %slice3A[0] : i32 from vector<1xi32>
    %slice3A_16 = vector.extract_strided_slice %get3A_13 {offsets = [1], sizes = [1], strides = [1]} : vector<16xi32> to vector<1xi32>
    %squeeze3A_17 = vector.extract %slice3A_16[0] : i32 from vector<1xi32>
    %slice3A_18 = vector.extract_strided_slice %get3A_15 {offsets = [0], sizes = [1], strides = [1]} : vector<16xi32> to vector<1xi32>
    %squeeze3A_19 = vector.extract %slice3A_18[0] : i32 from vector<1xi32>
    %slice3A_20 = vector.extract_strided_slice %get3A_15 {offsets = [1], sizes = [1], strides = [1]} : vector<16xi32> to vector<1xi32>
    %squeeze3A_21 = vector.extract %slice3A_20[0] : i32 from vector<1xi32>
    %shift_right_arithmetic3A_22 = arith.constant 7 : i32
    %shift_right_arithmetic3A_23 = arith.shrsi %squeeze3A, %shift_right_arithmetic3A_22 : i32
    %shift_left3A = arith.constant 7 : i32
    %shift_left3A_24 = arith.shli %shift_right_arithmetic3A_23, %shift_left3A : i32
    %multiple_of3A = tpu.assume_multiple %shift_left3A_24, 128 : i32
    %shift_right_arithmetic3A_25 = arith.constant 7 : i32
    %shift_right_arithmetic3A_26 = arith.shrsi %squeeze3A_19, %shift_right_arithmetic3A_25 : i32
    %shift_left3A_27 = arith.constant 7 : i32
    %shift_left3A_28 = arith.shli %shift_right_arithmetic3A_26, %shift_left3A_27 : i32
    %multiple_of3A_29 = tpu.assume_multiple %shift_left3A_28, 128 : i32
    %dma_start3A = arith.constant 0 : i32
    %dma_start3A_30 = arith.constant 0 : i32
    %dma_start3A_31 = tpu.memref_slice %arg9[%dma_start3A, %dma_start3A_30] : memref<64x256xf32, #tpu.memory_space<vmem>> -> memref<64x128xf32, #tpu.memory_space<vmem>>
    %dma_start3A_32 = arith.constant 0 : i32
    %dma_start3A_33 = tpu.memref_slice %arg4[%dma_start3A_32, %multiple_of3A] : memref<64x1000000xf32, #tpu.memory_space<hbm>> -> memref<64x128xf32, #tpu.memory_space<hbm>>
    %dma_start3A_34 = arith.constant 0 : i32
    %dma_start3A_35 = arith.constant 0 : i32
    %dma_start3A_36 = tpu.memref_slice %arg9[%dma_start3A_34, %dma_start3A_35] : memref<64x256xf32, #tpu.memory_space<vmem>> -> memref<64x128xf32, #tpu.memory_space<vmem>>
    %dma_start3A_37 = arith.constant 0 : i32
    %dma_start3A_38 = tpu.memref_slice %arg4[%dma_start3A_37, %multiple_of3A] : memref<64x1000000xf32, #tpu.memory_space<hbm>> -> memref<64x128xf32, #tpu.memory_space<hbm>>
    tpu.enqueue_dma source(%dma_start3A_38 : memref<64x128xf32, #tpu.memory_space<hbm>>) target(%dma_start3A_36 : memref<64x128xf32, #tpu.memory_space<vmem>>) target_semaphore(%arg17 : memref<!tpu.dma_semaphore, #tpu.memory_space<semaphore_mem>>)
    %dma_start3A_39 = arith.constant 0 : i32
    %dma_start3A_40 = arith.constant 0 : i32
    %dma_start3A_41 = tpu.memref_slice %arg10[%dma_start3A_39, %dma_start3A_40] : memref<64x256xf32, #tpu.memory_space<vmem>> -> memref<64x128xf32, #tpu.memory_space<vmem>>
    %dma_start3A_42 = arith.constant 0 : i32
    %dma_start3A_43 = tpu.memref_slice %arg5[%dma_start3A_42, %multiple_of3A_29] : memref<64x1000000xf32, #tpu.memory_space<hbm>> -> memref<64x128xf32, #tpu.memory_space<hbm>>
    %dma_start3A_44 = arith.constant 0 : i32
    %dma_start3A_45 = arith.constant 0 : i32
    %dma_start3A_46 = tpu.memref_slice %arg10[%dma_start3A_44, %dma_start3A_45] : memref<64x256xf32, #tpu.memory_space<vmem>> -> memref<64x128xf32, #tpu.memory_space<vmem>>
    %dma_start3A_47 = arith.constant 0 : i32
    %dma_start3A_48 = tpu.memref_slice %arg5[%dma_start3A_47, %multiple_of3A_29] : memref<64x1000000xf32, #tpu.memory_space<hbm>> -> memref<64x128xf32, #tpu.memory_space<hbm>>
    tpu.enqueue_dma source(%dma_start3A_48 : memref<64x128xf32, #tpu.memory_space<hbm>>) target(%dma_start3A_46 : memref<64x128xf32, #tpu.memory_space<vmem>>) target_semaphore(%arg17 : memref<!tpu.dma_semaphore, #tpu.memory_space<semaphore_mem>>)
    %shift_right_arithmetic3A_49 = arith.constant 7 : i32
    %shift_right_arithmetic3A_50 = arith.shrsi %squeeze3A_17, %shift_right_arithmetic3A_49 : i32
    %shift_left3A_51 = arith.constant 7 : i32
    %shift_left3A_52 = arith.shli %shift_right_arithmetic3A_50, %shift_left3A_51 : i32
    %multiple_of3A_53 = tpu.assume_multiple %shift_left3A_52, 128 : i32
    %shift_right_arithmetic3A_54 = arith.constant 7 : i32
    %shift_right_arithmetic3A_55 = arith.shrsi %squeeze3A_21, %shift_right_arithmetic3A_54 : i32
    %shift_left3A_56 = arith.constant 7 : i32
    %shift_left3A_57 = arith.shli %shift_right_arithmetic3A_55, %shift_left3A_56 : i32
    %multiple_of3A_58 = tpu.assume_multiple %shift_left3A_57, 128 : i32
    %dma_start3A_59 = arith.constant 0 : i32
    %dma_start3A_60 = arith.constant 128 : i32
    %dma_start3A_61 = tpu.memref_slice %arg9[%dma_start3A_59, %dma_start3A_60] : memref<64x256xf32, #tpu.memory_space<vmem>> -> memref<64x128xf32, #tpu.memory_space<vmem>>
    %dma_start3A_62 = arith.constant 0 : i32
    %dma_start3A_63 = tpu.memref_slice %arg4[%dma_start3A_62, %multiple_of3A_53] : memref<64x1000000xf32, #tpu.memory_space<hbm>> -> memref<64x128xf32, #tpu.memory_space<hbm>>
    %dma_start3A_64 = arith.constant 0 : i32
    %dma_start3A_65 = arith.constant 128 : i32
    %dma_start3A_66 = tpu.memref_slice %arg9[%dma_start3A_64, %dma_start3A_65] : memref<64x256xf32, #tpu.memory_space<vmem>> -> memref<64x128xf32, #tpu.memory_space<vmem>>
    %dma_start3A_67 = arith.constant 0 : i32
    %dma_start3A_68 = tpu.memref_slice %arg4[%dma_start3A_67, %multiple_of3A_53] : memref<64x1000000xf32, #tpu.memory_space<hbm>> -> memref<64x128xf32, #tpu.memory_space<hbm>>
    tpu.enqueue_dma source(%dma_start3A_68 : memref<64x128xf32, #tpu.memory_space<hbm>>) target(%dma_start3A_66 : memref<64x128xf32, #tpu.memory_space<vmem>>) target_semaphore(%arg17 : memref<!tpu.dma_semaphore, #tpu.memory_space<semaphore_mem>>)
    %dma_start3A_69 = arith.constant 0 : i32
    %dma_start3A_70 = arith.constant 128 : i32
    %dma_start3A_71 = tpu.memref_slice %arg10[%dma_start3A_69, %dma_start3A_70] : memref<64x256xf32, #tpu.memory_space<vmem>> -> memref<64x128xf32, #tpu.memory_space<vmem>>
    %dma_start3A_72 = arith.constant 0 : i32
    %dma_start3A_73 = tpu.memref_slice %arg5[%dma_start3A_72, %multiple_of3A_58] : memref<64x1000000xf32, #tpu.memory_space<hbm>> -> memref<64x128xf32, #tpu.memory_space<hbm>>
    %dma_start3A_74 = arith.constant 0 : i32
    %dma_start3A_75 = arith.constant 128 : i32
    %dma_start3A_76 = tpu.memref_slice %arg10[%dma_start3A_74, %dma_start3A_75] : memref<64x256xf32, #tpu.memory_space<vmem>> -> memref<64x128xf32, #tpu.memory_space<vmem>>
    %dma_start3A_77 = arith.constant 0 : i32
    %dma_start3A_78 = tpu.memref_slice %arg5[%dma_start3A_77, %multiple_of3A_58] : memref<64x1000000xf32, #tpu.memory_space<hbm>> -> memref<64x128xf32, #tpu.memory_space<hbm>>
    tpu.enqueue_dma source(%dma_start3A_78 : memref<64x128xf32, #tpu.memory_space<hbm>>) target(%dma_start3A_76 : memref<64x128xf32, #tpu.memory_space<vmem>>) target_semaphore(%arg17 : memref<!tpu.dma_semaphore, #tpu.memory_space<semaphore_mem>>)
    %dma_wait3A = arith.constant 0 : i32
    %dma_wait3A_79 = arith.constant 0 : i32
    %dma_wait3A_80 = tpu.memref_slice %arg9[%dma_wait3A, %dma_wait3A_79] : memref<64x256xf32, #tpu.memory_space<vmem>> -> memref<64x128xf32, #tpu.memory_space<vmem>>
    %dma_wait3A_81 = arith.constant 0 : i32
    %dma_wait3A_82 = tpu.memref_slice %arg4[%dma_wait3A_81, %multiple_of3A] : memref<64x1000000xf32, #tpu.memory_space<hbm>> -> memref<64x128xf32, #tpu.memory_space<hbm>>
    %dma_wait3A_83 = arith.constant 0 : i32
    %dma_wait3A_84 = arith.constant 0 : i32
    %dma_wait3A_85 = tpu.memref_slice %arg9[%dma_wait3A_83, %dma_wait3A_84] : memref<64x256xf32, #tpu.memory_space<vmem>> -> memref<64x128xf32, #tpu.memory_space<vmem>>
    %dma_wait3A_86 = arith.constant 0 : i32
    %dma_wait3A_87 = tpu.memref_slice %arg4[%dma_wait3A_86, %multiple_of3A] : memref<64x1000000xf32, #tpu.memory_space<hbm>> -> memref<64x128xf32, #tpu.memory_space<hbm>>
    tpu.wait_dma2 semaphore(%arg17 : memref<!tpu.dma_semaphore, #tpu.memory_space<semaphore_mem>>) src(%dma_wait3A_87 : memref<64x128xf32, #tpu.memory_space<hbm>>) dst(%dma_wait3A_85 : memref<64x128xf32, #tpu.memory_space<vmem>>)
    %dma_wait3A_88 = arith.constant 0 : i32
    %dma_wait3A_89 = arith.constant 0 : i32
    %dma_wait3A_90 = tpu.memref_slice %arg10[%dma_wait3A_88, %dma_wait3A_89] : memref<64x256xf32, #tpu.memory_space<vmem>> -> memref<64x128xf32, #tpu.memory_space<vmem>>
    %dma_wait3A_91 = arith.constant 0 : i32
    %dma_wait3A_92 = tpu.memref_slice %arg5[%dma_wait3A_91, %multiple_of3A_29] : memref<64x1000000xf32, #tpu.memory_space<hbm>> -> memref<64x128xf32, #tpu.memory_space<hbm>>
    %dma_wait3A_93 = arith.constant 0 : i32
    %dma_wait3A_94 = arith.constant 0 : i32
    %dma_wait3A_95 = tpu.memref_slice %arg10[%dma_wait3A_93, %dma_wait3A_94] : memref<64x256xf32, #tpu.memory_space<vmem>> -> memref<64x128xf32, #tpu.memory_space<vmem>>
    %dma_wait3A_96 = arith.constant 0 : i32
    %dma_wait3A_97 = tpu.memref_slice %arg5[%dma_wait3A_96, %multiple_of3A_29] : memref<64x1000000xf32, #tpu.memory_space<hbm>> -> memref<64x128xf32, #tpu.memory_space<hbm>>
    tpu.wait_dma2 semaphore(%arg17 : memref<!tpu.dma_semaphore, #tpu.memory_space<semaphore_mem>>) src(%dma_wait3A_97 : memref<64x128xf32, #tpu.memory_space<hbm>>) dst(%dma_wait3A_95 : memref<64x128xf32, #tpu.memory_space<vmem>>)
    %dma_wait3A_98 = arith.constant 0 : i32
    %dma_wait3A_99 = arith.constant 128 : i32
    %dma_wait3A_100 = tpu.memref_slice %arg9[%dma_wait3A_98, %dma_wait3A_99] : memref<64x256xf32, #tpu.memory_space<vmem>> -> memref<64x128xf32, #tpu.memory_space<vmem>>
    %dma_wait3A_101 = arith.constant 0 : i32
    %dma_wait3A_102 = tpu.memref_slice %arg4[%dma_wait3A_101, %multiple_of3A_53] : memref<64x1000000xf32, #tpu.memory_space<hbm>> -> memref<64x128xf32, #tpu.memory_space<hbm>>
    %dma_wait3A_103 = arith.constant 0 : i32
    %dma_wait3A_104 = arith.constant 128 : i32
    %dma_wait3A_105 = tpu.memref_slice %arg9[%dma_wait3A_103, %dma_wait3A_104] : memref<64x256xf32, #tpu.memory_space<vmem>> -> memref<64x128xf32, #tpu.memory_space<vmem>>
    %dma_wait3A_106 = arith.constant 0 : i32
    %dma_wait3A_107 = tpu.memref_slice %arg4[%dma_wait3A_106, %multiple_of3A_53] : memref<64x1000000xf32, #tpu.memory_space<hbm>> -> memref<64x128xf32, #tpu.memory_space<hbm>>
    tpu.wait_dma2 semaphore(%arg17 : memref<!tpu.dma_semaphore, #tpu.memory_space<semaphore_mem>>) src(%dma_wait3A_107 : memref<64x128xf32, #tpu.memory_space<hbm>>) dst(%dma_wait3A_105 : memref<64x128xf32, #tpu.memory_space<vmem>>)
    %dma_wait3A_108 = arith.constant 0 : i32
    %dma_wait3A_109 = arith.constant 128 : i32
    %dma_wait3A_110 = tpu.memref_slice %arg10[%dma_wait3A_108, %dma_wait3A_109] : memref<64x256xf32, #tpu.memory_space<vmem>> -> memref<64x128xf32, #tpu.memory_space<vmem>>
    %dma_wait3A_111 = arith.constant 0 : i32
    %dma_wait3A_112 = tpu.memref_slice %arg5[%dma_wait3A_111, %multiple_of3A_58] : memref<64x1000000xf32, #tpu.memory_space<hbm>> -> memref<64x128xf32, #tpu.memory_space<hbm>>
    %dma_wait3A_113 = arith.constant 0 : i32
    %dma_wait3A_114 = arith.constant 128 : i32
    %dma_wait3A_115 = tpu.memref_slice %arg10[%dma_wait3A_113, %dma_wait3A_114] : memref<64x256xf32, #tpu.memory_space<vmem>> -> memref<64x128xf32, #tpu.memory_space<vmem>>
    %dma_wait3A_116 = arith.constant 0 : i32
    %dma_wait3A_117 = tpu.memref_slice %arg5[%dma_wait3A_116, %multiple_of3A_58] : memref<64x1000000xf32, #tpu.memory_space<hbm>> -> memref<64x128xf32, #tpu.memory_space<hbm>>
    tpu.wait_dma2 semaphore(%arg17 : memref<!tpu.dma_semaphore, #tpu.memory_space<semaphore_mem>>) src(%dma_wait3A_117 : memref<64x128xf32, #tpu.memory_space<hbm>>) dst(%dma_wait3A_115 : memref<64x128xf32, #tpu.memory_space<vmem>>)
    %broadcast_in_dim3A_118 = arith.constant 0.000000e+00 : f32
    %broadcast_in_dim3A_119 = vector.broadcast %broadcast_in_dim3A_118 : f32 to vector<16xf32>
    %jit3A = arith.constant false
    %select_n3A = arith.select %jit3A, %broadcast_in_dim3A_119, %scan3A_11 : vector<16xf32>
    %get3A_120 = arith.constant 510 : index
    %get3A_121 = tpu.vector_load %arg7[%get3A_120] {strides = array<i32>} : memref<528xi32, #tpu.memory_space<vmem>>, vector<16xi32>,
    %get3A_122 = arith.constant 510 : index
    %get3A_123 = tpu.vector_load %arg8[%get3A_122] {strides = array<i32>} : memref<528xi32, #tpu.memory_space<vmem>>, vector<16xi32>,
    %slice3A_124 = vector.extract_strided_slice %get3A_121 {offsets = [0], sizes = [1], strides = [1]} : vector<16xi32> to vector<1xi32>
    %squeeze3A_125 = vector.extract %slice3A_124[0] : i32 from vector<1xi32>
    %slice3A_126 = vector.extract_strided_slice %get3A_121 {offsets = [1], sizes = [1], strides = [1]} : vector<16xi32> to vector<1xi32>
    %squeeze3A_127 = vector.extract %slice3A_126[0] : i32 from vector<1xi32>
    %slice3A_128 = vector.extract_strided_slice %get3A_123 {offsets = [0], sizes = [1], strides = [1]} : vector<16xi32> to vector<1xi32>
    %squeeze3A_129 = vector.extract %slice3A_128[0] : i32 from vector<1xi32>
    %slice3A_130 = vector.extract_strided_slice %get3A_123 {offsets = [1], sizes = [1], strides = [1]} : vector<16xi32> to vector<1xi32>
    %squeeze3A_131 = vector.extract %slice3A_130[0] : i32 from vector<1xi32>
    %shift_left3A_132 = arith.constant 7 : i32
    %shift_left3A_133 = vector.broadcast %shift_left3A_132 : i32 to vector<16xi32>
    %shift_left3A_134 = arith.shli %shift_right_arithmetic3A_6, %shift_left3A_133 : vector<16xi32>
    %lt3A = arith.constant 8 : i32
    %lt3A_135 = vector.broadcast %lt3A : i32 to vector<16xi32>
    %lt3A_136 = arith.cmpi slt, %iota3A, %lt3A_135 : vector<16xi32>
    %and3A_137 = arith.constant 127 : i32
    %and3A_138 = arith.andi %squeeze3A_125, %and3A_137 : i32
    %and3A_139 = arith.constant 127 : i32
    %and3A_140 = arith.andi %squeeze3A_127, %and3A_139 : i32
    %broadcast_in_dim3A_141 = vector.broadcast %and3A_138 : i32 to vector<16xi32>
    %broadcast_in_dim3A_142 = vector.broadcast %and3A_140 : i32 to vector<16xi32>
    %select_n3A_143 = arith.select %lt3A_136, %broadcast_in_dim3A_141, %broadcast_in_dim3A_142 : vector<16xi1>, vector<16xi32>
    %add3A_144 = arith.addi %shift_left3A_134, %select_n3A_143 : vector<16xi32>
    %shift_left3A_145 = arith.constant 7 : i32
    %shift_left3A_146 = vector.broadcast %shift_left3A_145 : i32 to vector<16xi32>
    %shift_left3A_147 = arith.shli %shift_right_arithmetic3A_6, %shift_left3A_146 : vector<16xi32>
    %lt3A_148 = arith.constant 8 : i32
    %lt3A_149 = vector.broadcast %lt3A_148 : i32 to vector<16xi32>
    %lt3A_150 = arith.cmpi slt, %iota3A, %lt3A_149 : vector<16xi32>
    %and3A_151 = arith.constant 127 : i32
    %and3A_152 = arith.andi %squeeze3A_129, %and3A_151 : i32
    %and3A_153 = arith.constant 127 : i32
    %and3A_154 = arith.andi %squeeze3A_131, %and3A_153 : i32
    %broadcast_in_dim3A_155 = vector.broadcast %and3A_152 : i32 to vector<16xi32>
    %broadcast_in_dim3A_156 = vector.broadcast %and3A_154 : i32 to vector<16xi32>
    %select_n3A_157 = arith.select %lt3A_150, %broadcast_in_dim3A_155, %broadcast_in_dim3A_156 : vector<16xi1>, vector<16xi32>
    %add3A_158 = arith.addi %shift_left3A_147, %select_n3A_157 : vector<16xi32>
    %broadcast_in_dim3A_159 = arith.constant 0.000000e+00 : f32
    %broadcast_in_dim3A_160 = vector.broadcast %broadcast_in_dim3A_159 : f32 to vector<16xf32>
    %add3A_161 = arith.constant 0 : i32
    %add3A_162 = vector.broadcast %add3A_161 : i32 to vector<16xi32>
    %add3A_163 = arith.addi %add3A_162, %and3A_4 : vector<16xi32>
    %gather3A = tpu.vector_load_idx %arg9[%add3A_163, %add3A_144] : memref<64x256xf32, #tpu.memory_space<vmem>>[vector<16xi32>, vector<16xi32>], vector<16xf32>,
    %gather3A_164 = tpu.vector_load_idx %arg10[%add3A_163, %add3A_158] : memref<64x256xf32, #tpu.memory_space<vmem>>[vector<16xi32>, vector<16xi32>], vector<16xf32>,
    %mul3A_165 = arith.mulf %gather3A, %gather3A_164 : vector<16xf32>
    %add3A_166 = arith.addf %broadcast_in_dim3A_160, %mul3A_165 : vector<16xf32>
    %add3A_167 = arith.constant 8 : i32
    %add3A_168 = vector.broadcast %add3A_167 : i32 to vector<16xi32>
    %add3A_169 = arith.addi %add3A_168, %and3A_4 : vector<16xi32>
    %gather3A_170 = tpu.vector_load_idx %arg9[%add3A_169, %add3A_144] : memref<64x256xf32, #tpu.memory_space<vmem>>[vector<16xi32>, vector<16xi32>], vector<16xf32>,
    %gather3A_171 = tpu.vector_load_idx %arg10[%add3A_169, %add3A_158] : memref<64x256xf32, #tpu.memory_space<vmem>>[vector<16xi32>, vector<16xi32>], vector<16xf32>,
    %mul3A_172 = arith.mulf %gather3A_170, %gather3A_171 : vector<16xf32>
    %add3A_173 = arith.addf %add3A_166, %mul3A_172 : vector<16xf32>
    %add3A_174 = arith.constant 16 : i32
    %add3A_175 = vector.broadcast %add3A_174 : i32 to vector<16xi32>
    %add3A_176 = arith.addi %add3A_175, %and3A_4 : vector<16xi32>
    %gather3A_177 = tpu.vector_load_idx %arg9[%add3A_176, %add3A_144] : memref<64x256xf32, #tpu.memory_space<vmem>>[vector<16xi32>, vector<16xi32>], vector<16xf32>,
    %gather3A_178 = tpu.vector_load_idx %arg10[%add3A_176, %add3A_158] : memref<64x256xf32, #tpu.memory_space<vmem>>[vector<16xi32>, vector<16xi32>], vector<16xf32>,
    %mul3A_179 = arith.mulf %gather3A_177, %gather3A_178 : vector<16xf32>
    %add3A_180 = arith.addf %add3A_173, %mul3A_179 : vector<16xf32>
    %add3A_181 = arith.constant 24 : i32
    %add3A_182 = vector.broadcast %add3A_181 : i32 to vector<16xi32>
    %add3A_183 = arith.addi %add3A_182, %and3A_4 : vector<16xi32>
    %gather3A_184 = tpu.vector_load_idx %arg9[%add3A_183, %add3A_144] : memref<64x256xf32, #tpu.memory_space<vmem>>[vector<16xi32>, vector<16xi32>], vector<16xf32>,
    %gather3A_185 = tpu.vector_load_idx %arg10[%add3A_183, %add3A_158] : memref<64x256xf32, #tpu.memory_space<vmem>>[vector<16xi32>, vector<16xi32>], vector<16xf32>,
    %mul3A_186 = arith.mulf %gather3A_184, %gather3A_185 : vector<16xf32>
    %add3A_187 = arith.addf %add3A_180, %mul3A_186 : vector<16xf32>
    %add3A_188 = arith.constant 32 : i32
    %add3A_189 = vector.broadcast %add3A_188 : i32 to vector<16xi32>
    %add3A_190 = arith.addi %add3A_189, %and3A_4 : vector<16xi32>
    %gather3A_191 = tpu.vector_load_idx %arg9[%add3A_190, %add3A_144] : memref<64x256xf32, #tpu.memory_space<vmem>>[vector<16xi32>, vector<16xi32>], vector<16xf32>,
    %gather3A_192 = tpu.vector_load_idx %arg10[%add3A_190, %add3A_158] : memref<64x256xf32, #tpu.memory_space<vmem>>[vector<16xi32>, vector<16xi32>], vector<16xf32>,
    %mul3A_193 = arith.mulf %gather3A_191, %gather3A_192 : vector<16xf32>
    %add3A_194 = arith.addf %add3A_187, %mul3A_193 : vector<16xf32>
    %add3A_195 = arith.constant 40 : i32
    %add3A_196 = vector.broadcast %add3A_195 : i32 to vector<16xi32>
    %add3A_197 = arith.addi %add3A_196, %and3A_4 : vector<16xi32>
    %gather3A_198 = tpu.vector_load_idx %arg9[%add3A_197, %add3A_144] : memref<64x256xf32, #tpu.memory_space<vmem>>[vector<16xi32>, vector<16xi32>], vector<16xf32>,
    %gather3A_199 = tpu.vector_load_idx %arg10[%add3A_197, %add3A_158] : memref<64x256xf32, #tpu.memory_space<vmem>>[vector<16xi32>, vector<16xi32>], vector<16xf32>,
    %mul3A_200 = arith.mulf %gather3A_198, %gather3A_199 : vector<16xf32>
    %add3A_201 = arith.addf %add3A_194, %mul3A_200 : vector<16xf32>
    %add3A_202 = arith.constant 48 : i32
    %add3A_203 = vector.broadcast %add3A_202 : i32 to vector<16xi32>
    %add3A_204 = arith.addi %add3A_203, %and3A_4 : vector<16xi32>
    %gather3A_205 = tpu.vector_load_idx %arg9[%add3A_204, %add3A_144] : memref<64x256xf32, #tpu.memory_space<vmem>>[vector<16xi32>, vector<16xi32>], vector<16xf32>,
    %gather3A_206 = tpu.vector_load_idx %arg10[%add3A_204, %add3A_158] : memref<64x256xf32, #tpu.memory_space<vmem>>[vector<16xi32>, vector<16xi32>], vector<16xf32>,
    %mul3A_207 = arith.mulf %gather3A_205, %gather3A_206 : vector<16xf32>
    %add3A_208 = arith.addf %add3A_201, %mul3A_207 : vector<16xf32>
    %add3A_209 = arith.constant 56 : i32
    %add3A_210 = vector.broadcast %add3A_209 : i32 to vector<16xi32>
    %add3A_211 = arith.addi %add3A_210, %and3A_4 : vector<16xi32>
    %gather3A_212 = tpu.vector_load_idx %arg9[%add3A_211, %add3A_144] : memref<64x256xf32, #tpu.memory_space<vmem>>[vector<16xi32>, vector<16xi32>], vector<16xf32>,
    %gather3A_213 = tpu.vector_load_idx %arg10[%add3A_211, %add3A_158] : memref<64x256xf32, #tpu.memory_space<vmem>>[vector<16xi32>, vector<16xi32>], vector<16xf32>,
    %mul3A_214 = arith.mulf %gather3A_212, %gather3A_213 : vector<16xf32>
    %add3A_215 = arith.addf %add3A_208, %mul3A_214 : vector<16xf32>
    %swap3A = arith.constant 0 : index
    %swap3A_216 = tpu.vector_load %arg15[%swap3A] {strides = array<i32>} : memref<16xf32, #tpu.memory_space<vmem>>, vector<16xf32>,
    tpu.vector_store %arg15[%swap3A], %add3A_215 {strides = array<i32>} : memref<16xf32, #tpu.memory_space<vmem>>, vector<16xf32>,
    %xor3A = arith.constant 1 : i32
    %xor3A_217 = vector.broadcast %xor3A : i32 to vector<16xi32>
    %xor3A_218 = arith.xori %iota3A, %xor3A_217 : vector<16xi32>
    %gather3A_219 = tpu.vector_load_idx %arg15[%xor3A_218] : memref<16xf32, #tpu.memory_space<vmem>>[vector<16xi32>], vector<16xf32>,
    %add3A_220 = arith.addf %add3A_215, %gather3A_219 : vector<16xf32>
    %swap3A_221 = arith.constant 0 : index
    %swap3A_222 = tpu.vector_load %arg15[%swap3A_221] {strides = array<i32>} : memref<16xf32, #tpu.memory_space<vmem>>, vector<16xf32>,
    tpu.vector_store %arg15[%swap3A_221], %add3A_220 {strides = array<i32>} : memref<16xf32, #tpu.memory_space<vmem>>, vector<16xf32>,
    %xor3A_223 = arith.constant 2 : i32
    %xor3A_224 = vector.broadcast %xor3A_223 : i32 to vector<16xi32>
    %xor3A_225 = arith.xori %iota3A, %xor3A_224 : vector<16xi32>
    %gather3A_226 = tpu.vector_load_idx %arg15[%xor3A_225] : memref<16xf32, #tpu.memory_space<vmem>>[vector<16xi32>], vector<16xf32>,
    %add3A_227 = arith.addf %add3A_220, %gather3A_226 : vector<16xf32>
    %swap3A_228 = arith.constant 0 : index
    %swap3A_229 = tpu.vector_load %arg15[%swap3A_228] {strides = array<i32>} : memref<16xf32, #tpu.memory_space<vmem>>, vector<16xf32>,
    tpu.vector_store %arg15[%swap3A_228], %add3A_227 {strides = array<i32>} : memref<16xf32, #tpu.memory_space<vmem>>, vector<16xf32>,
    %xor3A_230 = arith.constant 4 : i32
    %xor3A_231 = vector.broadcast %xor3A_230 : i32 to vector<16xi32>
    %xor3A_232 = arith.xori %iota3A, %xor3A_231 : vector<16xi32>
    %gather3A_233 = tpu.vector_load_idx %arg15[%xor3A_232] : memref<16xf32, #tpu.memory_space<vmem>>[vector<16xi32>], vector<16xf32>,
    %add3A_234 = arith.addf %add3A_227, %gather3A_233 : vector<16xf32>
    %eq3A = arith.constant 14 : i32
    %eq3A_235 = vector.broadcast %eq3A : i32 to vector<16xi32>
    %eq3A_236 = arith.cmpi eq, %iota3A, %eq3A_235 : vector<16xi32>
    %slice3A_237 = vector.extract_strided_slice %add3A_234 {offsets = [0], sizes = [1], strides = [1]} : vector<16xf32> to vector<1xf32>
    %squeeze3A_238 = vector.extract %slice3A_237[0] : f32 from vector<1xf32>
    %broadcast_in_dim3A_239 = vector.broadcast %squeeze3A_238 : f32 to vector<16xf32>
    %select_n3A_240 = arith.select %eq3A_236, %broadcast_in_dim3A_239, %select_n3A : vector<16xi1>, vector<16xf32>
    %eq3A_241 = arith.constant 15 : i32
    %eq3A_242 = vector.broadcast %eq3A_241 : i32 to vector<16xi32>
    %eq3A_243 = arith.cmpi eq, %iota3A, %eq3A_242 : vector<16xi32>
    %slice3A_244 = vector.extract_strided_slice %add3A_234 {offsets = [8], sizes = [1], strides = [1]} : vector<16xf32> to vector<1xf32>
    %squeeze3A_245 = vector.extract %slice3A_244[0] : f32 from vector<1xf32>
    %broadcast_in_dim3A_246 = vector.broadcast %squeeze3A_245 : f32 to vector<16xf32>
    %select_n3A_247 = arith.select %eq3A_243, %broadcast_in_dim3A_246, %select_n3A_240 : vector<16xi1>, vector<16xf32>
    %multiple_of3A_248 = arith.constant 496 : i32
    %multiple_of3A_249 = tpu.assume_multiple %multiple_of3A_248, 16 : i32
    %swap3A_250 = arith.index_cast %multiple_of3A_249 : i32 to index
    %swap3A_251 = tpu.vector_load %arg16[%swap3A_250] {strides = array<i32>} : memref<512xf32, #tpu.memory_space<vmem>>, vector<16xf32>,
    tpu.vector_store %arg16[%swap3A_250], %select_n3A_247 {strides = array<i32>} : memref<512xf32, #tpu.memory_space<vmem>>, vector<16xf32>,
    "tpu.region"() ({
      %run_scoped3A = tpu.sem_alloc : memref<!tpu.dma_semaphore, #tpu.memory_space<semaphore_mem>>
      %dma_start3A_252 = tpu.memref_slice %arg6[%mul3A_2] : memref<16384xf32, #tpu.memory_space<hbm>> -> memref<512xf32, #tpu.memory_space<hbm>>
      %dma_start3A_253 = tpu.memref_slice %arg6[%mul3A_2] : memref<16384xf32, #tpu.memory_space<hbm>> -> memref<512xf32, #tpu.memory_space<hbm>>
      tpu.enqueue_dma source(%arg16 : memref<512xf32, #tpu.memory_space<vmem>>) target(%dma_start3A_253 : memref<512xf32, #tpu.memory_space<hbm>>) target_semaphore(%run_scoped3A : memref<!tpu.dma_semaphore, #tpu.memory_space<semaphore_mem>>)
      %dma_wait3A_254 = tpu.memref_slice %arg6[%mul3A_2] : memref<16384xf32, #tpu.memory_space<hbm>> -> memref<512xf32, #tpu.memory_space<hbm>>
      %dma_wait3A_255 = tpu.memref_slice %arg6[%mul3A_2] : memref<16384xf32, #tpu.memory_space<hbm>> -> memref<512xf32, #tpu.memory_space<hbm>>
      tpu.wait_dma2 semaphore(%run_scoped3A : memref<!tpu.dma_semaphore, #tpu.memory_space<semaphore_mem>>) src(%arg16 : memref<512xf32, #tpu.memory_space<vmem>>) dst(%dma_wait3A_255 : memref<512xf32, #tpu.memory_space<hbm>>)
      tpu.yield
    }) : () -> ()
    return
  }
}

</mosaic_0001>

<sc_bundles>
// kernel: kernel.3.cloned.1.call-start
scs
__scs_entry_jumppad:
0x0: {  	(pc) =	sbr.rel $0x88, $3  }
0x1: {  	(tag) =	ssettag $0x0;
	lr =	simm.s32 $0x1  }
0x2: {  	[smem:$0x3F9D] =	sst lr;
	_ =	strace $0xD0000000  }
0x3: {  	_ = 	snop  }
0x4: {  	_ = 	snop  }
0x5: {  	_ = 	snop  }
0x6: {  	_ = 	snop  }
0x7: {  	_ = 	snop  }
__scs_overlays_trampoline_lowered:
0x8: {  	[smem:$0x3FAC] =	sst s0  }
0x9: {  	[smem:$0x3FAD] =	sst s1  }
0xa: {  	[smem:$0x3FAE] =	sst s2  }
0xb: {  	[smem:$0x3FAF] =	sst s3  }
0xc: {  	[smem:$0x3FB0] =	sst s4  }
0xd: {  	[smem:$0x3FB1] =	sst s5  }
0xe: {  	[smem:$0x3FB2] =	sst s6  }
0xf: {  	[smem:$0x3FB3] =	sst s7  }
0x10: {  	[smem:$0x3FB4] =	sst s8  }
0x11: {  	[smem:$0x3FB5] =	sst s9;
	s0 =	simm.s32 @!p0 $0x0  }
0x12: {  	s1 =	sld [smem:$0x3F9B];
	s0 =	simm.s32 @p0 $0x1  }
0x13: {  	[smem:$0x3FB6] =	sst s0;
	s0 =	simm.s32 @!p1 $0x0  }
0x14: {  	s2 =	sld [smem:$0x3F9A];
	s0 =	simm.s32 @p1 $0x1  }
0x15: {  	[smem:$0x3FB7] =	sst s0;
	s0 =	simm.s32 @!p2 $0x0  }
0x16: {  	s3 =	sld [smem:$0x3FDB];
	s0 =	simm.s32 @p2 $0x1  }
0x17: {  	s4 =	simm.s32 $0x1BF5;
	[smem:$0x3FB9] =	sst s0  }
0x18: {  	s0 =	sld [smem:$0x3F9C];
	_ =	swait.ge [sflag:s4], $0x0  }
0x19: {  	s7 =	sld [smem:$0x3F9D]  }
0x1a: {  	s8 =	sadd.s32 $0xFFFFE003, lr  }
0x1b: {  	s9 =	sadd.s32 $0xFFFFFEF7, lr;
	s5 =	simm.s32 $0xFFFFFFFF;
	p2 =	slt.u32 s8, $0xFFFFF086  }
0x1c: {  	p1 =	slt.u32 s9, $0xF7A;
	s5 =	simm.s32 @!p2 $0x0  }
0x1d: {  	s5 =	simm.s32 @p1 $0x1;
	p0 =	seq.s32 s7, s2  }
0x1e: {  	s7 =	smul.u32 @!p0 $0xF7A, s2;
	p2 =	seq.s32 @!p0 s5, $0x0  }
0x1f: {  	s9 =	smul.u32 $0xF7A, s1;
	s8 =	simm.s32 @!p0 $0x1BF5;
	p2 =	por !p2, p0  }
0x20: {  	[sflag:s8] =	ssyncset.s32 @!p0 $0xFFFFF086;
	s6 =	sadd.s32 @!p0 s3, s7;
	s7 =	simm.s32 @!p0 $0x108  }
0x21: {  	s3 =	sadd.s32 s3, s9;
	s6 =	sadd.s32 @!p0 $0x88, s6;
	s7 =	simm.s32 @p2 $0x1082  }
0x22: {  	[simem:s7], [sflag:s8] =	dma.local @!p0 [hbm:s6], $0xF7A  }
0x23: {  	s9 =	sor.u32 $0xD0000000, s2;
	s6 =	simm.s32 $0x108;
	_ =	swait.ge @!p0 [sflag:s8], $0x0  }
0x24: {  	s3 =	sadd.s32 $0x88, s3;
	s6 =	simm.s32 @!p1 $0x1082;
	[sflag:s4] =	ssyncset.s32 $0xFFFFF086  }
0x25: {  	[simem:s6], [sflag:s4] =	dma.local [hbm:s3], $0xF7A  }
0x26: {  	[smem:$0x3F9D] =	sst s1;
	(tag) =	ssettag s2;
	_ =	strace s9  }
0x27: {  	s1 =	sld [smem:$0x3FAD]  }
0x28: {  	s2 =	sld [smem:$0x3FAE]  }
0x29: {  	s4 =	sld [smem:$0x3FB0]  }
0x2a: {  	p0 =	seq.s32 s5, $0x0;
	s5 =	sld [smem:$0x3FB1]  }
0x2b: {  	s6 =	sld [smem:$0x3FB2]  }
0x2c: {  	s7 =	sld [smem:$0x3FB3]  }
0x2d: {  	s3 =	simm.s32 $0x108;
	s8 =	sld [smem:$0x3FB4]  }
0x2e: {  	s3 =	simm.s32 @!p0 $0x1082;
	s9 =	sld [smem:$0x3FB5]  }
0x2f: {  	lr =	sadd.s32 s0, s3;
	s0 =	sld [smem:$0x3FAC]  }
0x30: {  	s3 =	sld [smem:$0x3FAF]  }
0x31: {  	[smem:$0x3FB8] =	sst s10  }
0x32: {  	s10 =	sld [smem:$0x3FB6];
	_ =	sdelay $0x3  }
0x33: {  	p0 =	seq.s32 s10, $0x1;
	s10 =	sld [smem:$0x3FB8];
	_ =	sdelay $0x3  }
0x34: {  	[smem:$0x3FB8] =	sst s10  }
0x35: {  	s10 =	sld [smem:$0x3FB7];
	_ =	sdelay $0x3  }
0x36: {  	p1 =	seq.s32 s10, $0x1;
	s10 =	sld [smem:$0x3FB8];
	_ =	sdelay $0x3  }
0x37: {  	[smem:$0x3FB8] =	sst s10  }
0x38: {  	s10 =	sld [smem:$0x3FB9]  }
0x39: {  	_ = 	snop;
	(pc) =	sbr.ind lr, $3  }
0x3a: {  	_ = 	snop  }
0x3b: {  	_ = 	snop  }
0x3c: {  	p2 =	seq.s32 s10, $0x1;
	s10 =	sld [smem:$0x3FB8]  }
0x3d: {  	_ =	shalt  }
0x3e: {  	_ =	shalt  }
0x3f: {  	_ =	shalt  }
0x40: {  	_ =	shalt  }
0x41: {  	_ =	shalt  }
0x42: {  	_ =	shalt  }
0x43: {  	_ =	shalt  }
0x44: {  	_ =	shalt  }
0x45: {  	_ =	shalt  }
0x46: {  	_ =	shalt  }
0x47: {  	_ =	shalt  }
0x48: {  	_ =	shalt  }
0x49: {  	_ =	shalt  }
0x4a: {  	_ =	shalt  }
0x4b: {  	_ =	shalt  }
0x4c: {  	_ =	shalt  }
0x4d: {  	_ =	shalt  }
0x4e: {  	_ =	shalt  }
0x4f: {  	_ =	shalt  }
0x50: {  	_ =	shalt  }
0x51: {  	_ =	shalt  }
0x52: {  	_ =	shalt  }
0x53: {  	_ =	shalt  }
0x54: {  	_ =	shalt  }
0x55: {  	_ =	shalt  }
0x56: {  	_ =	shalt  }
0x57: {  	_ =	shalt  }
0x58: {  	_ =	shalt  }
0x59: {  	_ =	shalt  }
0x5a: {  	_ =	shalt  }
0x5b: {  	_ =	shalt  }
0x5c: {  	_ =	shalt  }
0x5d: {  	_ =	shalt  }
0x5e: {  	_ =	shalt  }
0x5f: {  	_ =	shalt  }
0x60: {  	_ =	shalt  }
0x61: {  	_ =	shalt  }
0x62: {  	_ =	shalt  }
0x63: {  	_ =	shalt  }
0x64: {  	_ =	shalt  }
0x65: {  	_ =	shalt  }
0x66: {  	_ =	shalt  }
0x67: {  	_ =	shalt  }
0x68: {  	_ =	shalt  }
0x69: {  	_ =	shalt  }
0x6a: {  	_ =	shalt  }
0x6b: {  	_ =	shalt  }
0x6c: {  	_ =	shalt  }
0x6d: {  	_ =	shalt  }
0x6e: {  	_ =	shalt  }
0x6f: {  	_ =	shalt  }
0x70: {  	_ =	shalt  }
0x71: {  	_ =	shalt  }
0x72: {  	_ =	shalt  }
0x73: {  	_ =	shalt  }
0x74: {  	_ =	shalt  }
0x75: {  	_ =	shalt  }
0x76: {  	_ =	shalt  }
0x77: {  	_ =	shalt  }
0x78: {  	_ =	shalt  }
0x79: {  	_ =	shalt  }
0x7a: {  	_ =	shalt  }
0x7b: {  	_ =	shalt  }
0x7c: {  	_ =	shalt  }
0x7d: {  	_ =	shalt  }
0x7e: {  	_ =	shalt  }
0x7f: {  	_ =	shalt  }
0x80: {  	_ =	shalt  }
0x81: {  	_ =	shalt  }
0x82: {  	_ =	shalt  }
0x83: {  	_ =	shalt  }
0x84: {  	_ =	shalt  }
0x85: {  	_ =	shalt  }
0x86: {  	_ =	shalt  }
0x87: {  	_ =	shalt  }
.Lfunc_end0:
.L_simem_size_0:
called_computation_lowered:
.L_overlay_start_0:
0x88: {  	s2 =	sld [smem:$0x3FD9]  }
0x89: {  	s3 =	sld [smem:$0x3FFE];
	_ =	sdelay $0x1  }
0x8a: {  	s1 =	srdreg.scid  }
0x8b: {  	s0 =	sand.u32 $0x1, s1  }
0x8c: {  	s17 =	sshll.u32 s0, $0xA;
	s2 =	sadd.s32 s3, s2  }
0x8d: {  	s2 =	sadd.s32 s2, s17  }
0x8e: {  	[smem:$0x3FC4] =	sst s2  }
0x8f: {  	_ = 	snop  }
0x90: {  	s2 =	sld [smem:$0x3FC7]  }
0x91: {  	s18 =	sld [smem:$0x3FC6]  }
0x92: {  	s4 =	sld [smem:$0x3FD0];
	(tm) =	ssettm $0x1  }
0x93: {  	s5 =	sld [smem:$0x3FFB];
	_ =	sdelay $0x3  }
0x94: {  	_ =	strace s5  }
0x95: {  	s5 =	sld [smem:$0x3FFC];
	_ =	sdelay $0x3  }
0x96: {  	_ =	strace s5  }
0x97: {  	s5 =	sld [smem:$0x3FFD];
	_ =	sdelay $0x3  }
0x98: {  	_ =	strace s5  }
0x99: {  	_ =	strace $0x8FFFFFFF  }
0x9a: {  	s19 =	sld [smem:$0x3FDB];
	_ =	sdelay $0x1  }
0x9b: {  	s6 =	simm.s32 $_scs_section_size  }
0x9c: {  	s7 =	simm.s32 $_size__tile_overlayer_lowered;
	s8 =	simm.s32 $_tile_overlayer_lowered  }
0x9d: {  	s22 =	simm.s32 $0x1BFF;
	s21 =	sshll.u32 s8, $0x1;
	s5 =	sadd.s32 s6, s19  }
0x9e: {  	s9 =	simm.s32 $0x0;
	s20 =	sshll.u32 s7, $0x1;
	s7 =	sadd.s32 s21, s5  }
0x9f: {  	[timem:s9], [sflag:s22] =	dma.local [hbm:s7], s20  }
0xa0: {  	_ =	swait.ge [sflag:s22], s20  }
0xa1: {  	s6 =	ssub.s32 $0x0, s20;
	[sflag:s22] =	ssyncset.done $0x0  }
0xa2: {  	[sflag:s22] =	ssyncadd.s32 s6;
	_ =	sdelay $0x1  }
0xa3: {  	s23 =	simm.s32 $0x1B8B  }
0xa4: {  	_ =	swait.ge [sflag:s23], $0x1  }
0xa5: {  	[sflag:s23] =	ssyncset.done $0x0  }
0xa6: {  	s25 =	simm.s32 $0x1B8E;
	s24 =	sld [smem:$0x3FFE];
	[sflag:s23] =	ssyncadd.s32 $0xFFFFFFFF  }
0xa7: {  	s26 =	simm.s32 $execute0_lowered;
	[smem:$0x3FD2] =	sst s25  }
0xa8: {  	s7 =	sshll.u32 s26, $0x1;
	_ =	strace $0x80000046;
	[dreg:$0x1] =	wrdreg $0xFFFFFFFF  }
0xa9: {  	s28 =	simm.s32 $_size_execute0_lowered;
	s5 =	sadd.s32 s5, s7;
	[dreg:$0x0] =	wrdreg $0x0  }
0xaa: {  	s7 =	sshll.u32 s28, $0x1;
	[dreg:$0x2] =	wrdreg s5  }
0xab: {  	[dreg:$0x3] =	wrdreg s7  }
0xac: {  	[dreg:$0x4] =	wrdreg $0xC0  }
0xad: {  	_ =	task [dreg:s9], $0x5FFFF  }
0xae: {  	[dreg:$0x1] =	wrdreg $0xFFFFFFFF  }
0xaf: {  	[dreg:$0x0] =	wrdreg $0x60  }
0xb0: {  	[dreg:$0x2] =	wrdreg s24  }
0xb1: {  	[dreg:$0x3] =	wrdreg s2  }
0xb2: {  	[dreg:$0x4] =	wrdreg s18  }
0xb3: {  	[dreg:$0x5] =	wrdreg s4  }
0xb4: {  	[dreg:$0x6] =	wrdreg $0x9  }
0xb5: {  	_ =	task.clear_ibuf [dreg:s9], $0x7FFFF;
	_ =	strace $0x90000046  }
0xb6: {  	s29 =	simm.s32 $0x9;
	_ =	strace $0x80000048  }
0xb7: {  	_ =	swait.ge [sflag:s29], $0x1  }
0xb8: {  	[sflag:s29] =	ssyncadd.s32 $0xFFFFFFFF  }
0xb9: {  	_ =	strace $0x90000048  }
0xba: {  	_ =	sfence  }
0xbb: {  	s30 =	sld [smem:$0x0];
	_ =	sdelay $0x2  }
0xbc: {  	s31 =	sshll.u32 s1, $0xD;
	s1 =	sshrl.u32 s1, $0x2  }
0xbd: {  	s3 =	sand.u32 $0x4000, s31;
	s1 =	sadd.s32 s1, s30  }
0xbe: {  	s0 =	sor.u32 s3, s0;
	s1 =	sshll.u32 s1, $0x11  }
0xbf: {  	s0 =	sor.u32 s1, s0  }
0xc0: {  	s0 =	sadd.s32 $0x8F2B, s0  }
0xc1: {  	[sflag:s0] =	ssyncadd.remote.s32 $0x1  }
0xc2: {  	_ =	sfence.sel $0xFFFF  }
0xc3: {  	[dreg:$0x0] =	wrdreg $0xFFFFFFFF;
	(pc) =	sbr.abs _section_cstart, $3  }
0xc4: {  	[dreg:$0x1] =	wrdreg $0xFFFFFFFF  }
0xc5: {  	_ =	task.clear_ibuf [dreg:s9], $0x2FFFF;
	_ =	strace $0x9FFFFFFF  }
0xc6: {  	(tm) =	ssettm $0x7FFFFFFF  }
0xc7: {  	_ =	shalt  }
tec
execute0_lowered:
.L_overlay_start_1:
0x0: {  	(tag) =	ssettag $0x1  }
0x1: {  	s4 =	rddreg [dreg:$0x0]  }
0x2: {  	s1 =	rddreg [dreg:$0x1]  }
0x3: {  	s2 =	rddreg [dreg:$0x2]  }
0x4: {  	s0 =	rddreg [dreg:$0x3];
	s3 =	simm.s32 $0x0  }
0x5: {  	s5 =	simm.s32 $0x8D00;
	[smem:$0x7FF] =	sst s3  }
0x6: {  	s15 =	simm.s32 $0x9500;
	_ =	strace $0x80000047;
	[dreg:$0x5] =	wrdreg s5  }
0x7: {  	s16 =	simm.s32 $0x9D00;
	[dreg:$0x6] =	wrdreg s15  }
0x8: {  	s17 =	simm.s32 $0xA500;
	[dreg:$0x7] =	wrdreg s16  }
0x9: {  	s18 =	simm.s32 $0xAD00;
	[dreg:$0x8] =	wrdreg s17  }
0xa: {  	s19 =	simm.s32 $0xB500;
	[dreg:$0x9] =	wrdreg s18  }
0xb: {  	s20 =	simm.s32 $0xBD00;
	[dreg:$0xa] =	wrdreg s19  }
0xc: {  	s21 =	simm.s32 $0xCD00;
	[dreg:$0xb] =	wrdreg s20  }
0xd: {  	s22 =	simm.s32 $0xD500;
	[dreg:$0xc] =	wrdreg s21  }
0xe: {  	s23 =	simm.s32 $0xDD00;
	[dreg:$0xd] =	wrdreg s22  }
0xf: {  	s24 =	simm.s32 $0xE500;
	[dreg:$0xe] =	wrdreg s23  }
0x10: {  	s25 =	simm.s32 $0xED00;
	[dreg:$0xf] =	wrdreg s24  }
0x11: {  	s26 =	simm.s32 $0xF500;
	[dreg:$0x10] =	wrdreg s25  }
0x12: {  	s28 =	simm.s32 $0xFD00;
	[dreg:$0x11] =	wrdreg s26  }
0x13: {  	s29 =	simm.s32 $0x8900;
	[dreg:$0x12] =	wrdreg s28  }
0x14: {  	s30 =	simm.s32 $0x9100;
	[dreg:$0x13] =	wrdreg s29  }
0x15: {  	s31 =	simm.s32 $0x9900;
	[dreg:$0x14] =	wrdreg s30  }
0x16: {  	s6 =	simm.s32 $0xA100;
	[dreg:$0x15] =	wrdreg s31  }
0x17: {  	s7 =	simm.s32 $0xA900;
	[dreg:$0x16] =	wrdreg s6  }
0x18: {  	s8 =	simm.s32 $0xB100;
	[dreg:$0x17] =	wrdreg s7  }
0x19: {  	s9 =	simm.s32 $0xB900;
	[dreg:$0x18] =	wrdreg s8  }
0x1a: {  	s10 =	simm.s32 $0xC100;
	[dreg:$0x19] =	wrdreg s9  }
0x1b: {  	s11 =	simm.s32 $0xC900;
	[dreg:$0x1a] =	wrdreg s10  }
0x1c: {  	s12 =	simm.s32 $0xD100;
	[dreg:$0x1b] =	wrdreg s11  }
0x1d: {  	s13 =	simm.s32 $0xD900;
	[dreg:$0x1c] =	wrdreg s12  }
0x1e: {  	s14 =	simm.s32 $0xE100;
	[dreg:$0x1d] =	wrdreg s13  }
0x1f: {  	[dreg:$0x1e] =	wrdreg s14;
	s15 =	simm.s32 $0xE900  }
0x20: {  	s16 =	simm.s32 $0xF100;
	[dreg:$0x1f] =	wrdreg s15  }
0x21: {  	s17 =	simm.s32 $0xF900;
	[smem:$0x7D9] =	sst s16  }
0x22: {  	s18 =	simm.s32 $0x10100;
	[smem:$0x7DA] =	sst s17  }
0x23: {  	s19 =	simm.s32 $0x10D00;
	[smem:$0x7DB] =	sst s18  }
0x24: {  	s20 =	simm.s32 $0x11500;
	[smem:$0x7DC] =	sst s19  }
0x25: {  	s21 =	simm.s32 $0x11D00;
	[smem:$0x7DD] =	sst s20  }
0x26: {  	s22 =	simm.s32 $0x12500;
	[smem:$0x7DE] =	sst s21  }
0x27: {  	s23 =	simm.s32 $0x12D00;
	[smem:$0x7DF] =	sst s22  }
0x28: {  	s24 =	simm.s32 $0x13500;
	[smem:$0x7E0] =	sst s23  }
0x29: {  	s25 =	simm.s32 $0x13D00;
	[smem:$0x7E1] =	sst s24  }
0x2a: {  	s26 =	simm.s32 $0x14D00;
	[smem:$0x7E2] =	sst s25  }
0x2b: {  	s29 =	simm.s32 $0x15500;
	[smem:$0x7E3] =	sst s26  }
0x2c: {  	s30 =	simm.s32 $0x15D00;
	[smem:$0x7E4] =	sst s29  }
0x2d: {  	s31 =	simm.s32 $0x16500;
	[smem:$0x7E5] =	sst s30  }
0x2e: {  	s10 =	simm.s32 $0x16D00;
	[smem:$0x7E7] =	sst s31  }
0x2f: {  	s12 =	simm.s32 $0x17500;
	[smem:$0x7E9] =	sst s10  }
0x30: {  	s14 =	simm.s32 $0x17D00;
	[smem:$0x7EA] =	sst s12  }
0x31: {  	[smem:$0x7EC] =	sst s14;
	s15 =	simm.s32 $0x10900  }
0x32: {  	s16 =	simm.s32 $0x11100;
	[smem:$0x7ED] =	sst s15  }
0x33: {  	s17 =	simm.s32 $0x11900;
	[smem:$0x7EE] =	sst s16  }
0x34: {  	s18 =	simm.s32 $0x12100;
	[smem:$0x7EF] =	sst s17  }
0x35: {  	s19 =	simm.s32 $0x12900;
	[smem:$0x7F0] =	sst s18  }
0x36: {  	s20 =	simm.s32 $0x13100;
	[smem:$0x7F1] =	sst s19  }
0x37: {  	s6 =	srdreg.scid;
	s21 =	simm.s32 $0x13900;
	[smem:$0x7F2] =	sst s20  }
0x38: {  	s8 =	stileid.u32;
	s22 =	simm.s32 $0x14100;
	[smem:$0x7F3] =	sst s21  }
0x39: {  	s6 =	sand.u32 $0x1, s6;
	s23 =	simm.s32 $0x14900;
	[smem:$0x7F4] =	sst s22  }
0x3a: {  	s7 =	sshll.u32 s8, $0x1;
	s24 =	simm.s32 $0x15100;
	[smem:$0x7F5] =	sst s23  }
0x3b: {  	s8 =	sshll.u32 s8, $0x7;
	s25 =	simm.s32 $0x15900;
	[smem:$0x7F6] =	sst s24  }
0x3c: {  	s10 =	simm.s32 $0x500;
	s26 =	simm.s32 $0x16100;
	[smem:$0x7F7] =	sst s25  }
0x3d: {  	s29 =	simm.s32 $0x17100;
	s30 =	simm.s32 $0x17900;
	[smem:$0x7F8] =	sst s26  }
0x3e: {  	s31 =	simm.s32 $0x18100;
	s12 =	simm.s32 $0x4D00;
	[smem:$0x7FA] =	sst s29  }
0x3f: {  	v4 =	vimm.s32 $0xEFCDAB89;
	v5 =	vimm.s32 $0x67452301;
	s14 =	simm.s32 $0x5D00;
	s7 =	sor.u32 s6, s7;
	[smem:$0x7FB] =	sst s30  }
0x40: {  	v6 =	vimm.s32 $0xDCFE98BA;
	v7 =	vimm.s32 $0x54761032;
	s28 =	ssub.s32 $0x2, s6;
	s18 =	simm.s32 $0x4500;
	[smem:$0x7FD] =	sst s31  }
0x41: {  	v0 =	vlaneseq.u32;
	v8 =	vimm.s32 $0xBA98FEDC;
	s15 =	simm.s32 $0x8500;
	s16 =	simm.s32 $0xC500;
	s17 =	simm.s32 $0x10500  }
0x42: {  	vm0 =	vmmov $0xff;
	v9 =	vimm.s32 $0x32107654;
	vm1 =	vcmask $0x3B38;
	s19 =	simm.s32 $0x14500;
	s20 =	simm.s32 $0x1;
	s21 =	simm.s32 $0x18500  }
0x43: {  	vm2 =	vmmov $0x7fff;
	v1 =	vmul.u32 $0x80, v0;
	v4 =	vunpack.c.l.s4.s8 v4;
	s22 =	simm.s32 $0x2;
	s24 =	simm.s32 $0x3;
	s25 =	simm.s32 $0x2D00  }
0x44: {  	v5 =	vunpack.c.l.s4.s8 v5;
	v6 =	vunpack.c.l.s4.s8 v6;
	v7 =	vunpack.c.l.s4.s8 v7;
	s23 =	simm.s32 $0x3500;
	s9 =	sshll.u32 s7, $0x4;
	s13 =	sshll.u32 s7, $0x6  }
0x45: {  	v8 =	vunpack.c.l.s4.s8 v8;
	v9 =	vunpack.c.l.s4.s8 v9;
	v2 =	vor.u32 $0x800, v1;
	s6 =	sshrl.u32 s28, $0x1;
	s8 =	sor.u32 s8, s9;
	s0 =	sadd.s32 s0, s13  }
0x46: {  	v10 =	vunpack.c.0.s8.s32 v4;
	v11 =	vunpack.c.0.s8.s32 v5;
	v6 =	vunpack.c.0.s8.s32 v6;
	s7 =	simm.s32 $0x2500;
	s8 =	sand.u32 $0x670, s8;
	[smem:$0x7EB] =	sst s0  }
0x47: {  	v7 =	vunpack.c.0.s8.s32 v7;
	v8 =	vunpack.c.0.s8.s32 v8;
	v9 =	vunpack.c.0.s8.s32 v9;
	s8 =	sadd.s32 s8, s4;
	s4 =	ssub.s32 s28, s6;
	s28 =	simm.s32 $0x16900  }
0x48: {  	v3 =	vor.u32 $0x1000, v1;
	v4 =	vor.u32 $0x1800, v1;
	v10 =	vcombine.low v11, v10;
	s13 =	simm.s32 $0x5500;
	s9 =	sadd.s32 $0x400, s8;
	[smem:$0x7F9] =	sst s28  }
0x49: {  	v5 =	vor.u32 $0x2000, v1;
	v11 =	vcombine.low v7, v6;
	v12 =	vcombine.low v9, v8;
	s6 =	simm.s32 $0x4;
	s11 =	sadd.s32 $0xC00, s8;
	[smem:$0x7E6] =	sst s9  }
0x4a: {  	v6 =	vor.u32 $0x2800, v1;
	v7 =	vor.u32 $0x3000, v1;
	v8 =	vor.u32 $0x3800, v1;
	s4 =	smax.u32 s4, $0x1;
	s8 =	simm.s32 $0xD00;
	[smem:$0x7E8] =	sst s11  }
0x4b: {  	v9 =	vand.u32 $0xF, v10;
	v10 =	vand.u32 $0xF, v11;
	v11 =	vand.u32 $0xF, v12;
	[smem:$0x7FC] =	sst s4;
	s4 =	simm.s32 $0x0;
	s11 =	simm.s32 $0x3D00  }
.LBB2_1:
0x4c: {  	s0 =	sld [smem:$0x7E6];
	_ =	sdelay $0x1  }
0x4d: {  	[smem:$0x7D8] =	sst s4;
	s26 =	simm.s32 $0x400;
	s5 =	simm.s32 $0x80  }
0x4e: {  	[tilespmem:s3], [sflag:$0x4] =	stream.strided.gather [hbm4b:s0+s5], $0x200, s26, s5, $0x38;
	[tilespmem:$0x18780] =	vst v63  }
0x4f: {  	_ =	swait.ge [sflag:s6], $0x200  }
0x50: {  	s31 =	sld [smem:$0x7E8]  }
0x51: {  	[sflag:s6] =	ssyncset.done $0x0  }
0x52: {  	s9 =	simm.s32 $0x280;
	[sflag:s6] =	ssyncadd.s32 $0xFFFFFE00  }
0x53: {  	[tilespmem:s9], [sflag:$0x4] =	stream.strided.gather [hbm4b:s31+s5], $0x200, s26, s5, $0x38;
	[tilespmem:$0x18780] =	vst v63  }
0x54: {  	s28 =	simm.s32 $0x4;
	s29 =	simm.s32 $0x0;
	_ =	swait.ge [sflag:s6], $0x200  }
0x55: {  	s30 =	simm.s32 $0x0;
	s26 =	simm.s32 $0x284;
	[sflag:s6] =	ssyncset.done $0x0  }
0x56: {  	v12 =	vimm.f32 $0.0e+00;
	s5 =	simm.s32 $0x1500;
	[sflag:s6] =	ssyncadd.s32 $0xFFFFFE00;
	s6 =	simm.s32 $0x1D00  }
.LBB2_2:
0x57: {  	v13 =	vld [tilespmem:s28+$0xFFFFFFFC];
	_ =	sdelay $0x4  }
0x58: {  	(v2sf) =	vpush v13, $0x0;
	_ =	sdelay $0x8  }
0x59: {  	v14 =	vld [tilespmem:s26+$0xFFFFFFFC];
	_ =	sdelay $0x4  }
0x5a: {  	(v2sf) =	vpush v14, $0x0  }
0x5b: {  	s31 =	spop (v2sf)  }
0x5c: {  	s31 =	sand.u32 $0xFFFFF80, s31  }
0x5d: {  	s31 =	sadd.s32 s1, s31  }
0x5e: {  	[tilespmem:s10], [sflag:$0x1] =	stream.linear.gather [hbm4b:s31+s3], $0x400, $0x38;
	[tilespmem:$0x18780] =	vst v63  }
0x5f: {  	s0 =	sadd.s32 $0xF4280, s31  }
0x60: {  	[tilespmem:s8], [sflag:$0x1] =	stream.linear.gather [hbm4b:s0+s3], $0x400, $0x38;
	[tilespmem:$0x18780] =	vst v63  }
0x61: {  	s4 =	sadd.s32 $0x1E8500, s31  }
0x62: {  	[tilespmem:s5], [sflag:$0x1] =	stream.linear.gather [hbm4b:s4+s3], $0x400, $0x38;
	[tilespmem:$0x18780] =	vst v63  }
0x63: {  	s9 =	sadd.s32 $0x2DC780, s31  }
0x64: {  	[tilespmem:s6], [sflag:$0x1] =	stream.linear.gather [hbm4b:s9+s3], $0x400, $0x38;
	[tilespmem:$0x18780] =	vst v63  }
0x65: {  	s4 =	sadd.s32 $0x3D0A00, s31  }
0x66: {  	[tilespmem:s7], [sflag:$0x1] =	stream.linear.gather [hbm4b:s4+s3], $0x400, $0x38;
	[tilespmem:$0x18780] =	vst v63  }
0x67: {  	s9 =	sadd.s32 $0x4C4C80, s31  }
0x68: {  	[tilespmem:s25], [sflag:$0x1] =	stream.linear.gather [hbm4b:s9+s3], $0x400, $0x38;
	[tilespmem:$0x18780] =	vst v63  }
0x69: {  	s4 =	sadd.s32 $0x5B8F00, s31;
	s9 =	sadd.s32 $0x6AD180, s31;
	s31 =	spop (v2sf)  }
0x6a: {  	[tilespmem:s23], [sflag:$0x1] =	stream.linear.gather [hbm4b:s4+s3], $0x400, $0x38;
	[tilespmem:$0x18780] =	vst v63  }
0x6b: {  	s0 =	sand.u32 $0xFFFFF80, s31  }
0x6c: {  	(v2sf) =	vpush v13, $0x1;
	[tilespmem:s11], [sflag:$0x1] =	stream.linear.gather [hbm4b:s9+s3], $0x400, $0x38;
	[tilespmem:$0x18780] =	vst v63  }
0x6d: {  	s0 =	sadd.s32 s2, s0  }
0x6e: {  	[tilespmem:s18], [sflag:$0x1] =	stream.linear.gather [hbm4b:s0+s3], $0x400, $0x38;
	[tilespmem:$0x18780] =	vst v63  }
0x6f: {  	s4 =	sadd.s32 $0xF4280, s0  }
0x70: {  	[tilespmem:s12], [sflag:$0x1] =	stream.linear.gather [hbm4b:s4+s3], $0x400, $0x38;
	[tilespmem:$0x18780] =	vst v63  }
0x71: {  	s9 =	sadd.s32 $0x1E8500, s0  }
0x72: {  	[tilespmem:s13], [sflag:$0x1] =	stream.linear.gather [hbm4b:s9+s3], $0x400, $0x38;
	[tilespmem:$0x18780] =	vst v63  }
0x73: {  	s4 =	sadd.s32 $0x2DC780, s0  }
0x74: {  	[tilespmem:s14], [sflag:$0x1] =	stream.linear.gather [hbm4b:s4+s3], $0x400, $0x38;
	[tilespmem:$0x18780] =	vst v63  }
0x75: {  	s9 =	sadd.s32 $0x3D0A00, s0;
	s4 =	simm.s32 $0x6500  }
0x76: {  	[tilespmem:s4], [sflag:$0x1] =	stream.linear.gather [hbm4b:s9+s3], $0x400, $0x38;
	[tilespmem:$0x18780] =	vst v63  }
0x77: {  	s4 =	sadd.s32 $0x4C4C80, s0;
	s9 =	simm.s32 $0x6D00  }
0x78: {  	[tilespmem:s9], [sflag:$0x1] =	stream.linear.gather [hbm4b:s4+s3], $0x400, $0x38;
	[tilespmem:$0x18780] =	vst v63  }
0x79: {  	s4 =	sadd.s32 $0x5B8F00, s0;
	s9 =	simm.s32 $0x7500  }
0x7a: {  	[tilespmem:s9], [sflag:$0x1] =	stream.linear.gather [hbm4b:s4+s3], $0x400, $0x38;
	[tilespmem:$0x18780] =	vst v63  }
0x7b: {  	s31 =	simm.s32 $0x7D00;
	s0 =	sadd.s32 $0x6AD180, s0;
	s9 =	spop (v2sf)  }
0x7c: {  	[tilespmem:s31], [sflag:$0x1] =	stream.linear.gather [hbm4b:s0+s3], $0x400, $0x38;
	[tilespmem:$0x18780] =	vst v63  }
0x7d: {  	(v2sf) =	vpush v14, $0x1;
	s0 =	sand.u32 $0xFFFFF80, s9  }
0x7e: {  	s31 =	simm.s32 $0x900;
	s0 =	sadd.s32 s1, s0  }
0x7f: {  	[tilespmem:s31], [sflag:$0x1] =	stream.linear.gather [hbm4b:s0+s3], $0x400, $0x38;
	[tilespmem:$0x18780] =	vst v63  }
0x80: {  	s9 =	simm.s32 $0x1100;
	s4 =	sadd.s32 $0xF4280, s0  }
0x81: {  	[tilespmem:s9], [sflag:$0x1] =	stream.linear.gather [hbm4b:s4+s3], $0x400, $0x38;
	[tilespmem:$0x18780] =	vst v63  }
0x82: {  	s4 =	sadd.s32 $0x1E8500, s0;
	s9 =	simm.s32 $0x1900  }
0x83: {  	[tilespmem:s9], [sflag:$0x1] =	stream.linear.gather [hbm4b:s4+s3], $0x400, $0x38;
	[tilespmem:$0x18780] =	vst v63  }
0x84: {  	s4 =	sadd.s32 $0x2DC780, s0;
	s9 =	simm.s32 $0x2100  }
0x85: {  	[tilespmem:s9], [sflag:$0x1] =	stream.linear.gather [hbm4b:s4+s3], $0x400, $0x38;
	[tilespmem:$0x18780] =	vst v63  }
0x86: {  	s4 =	sadd.s32 $0x3D0A00, s0;
	s9 =	simm.s32 $0x2900  }
0x87: {  	[tilespmem:s9], [sflag:$0x1] =	stream.linear.gather [hbm4b:s4+s3], $0x400, $0x38;
	[tilespmem:$0x18780] =	vst v63  }
0x88: {  	s4 =	sadd.s32 $0x4C4C80, s0;
	s9 =	simm.s32 $0x3100  }
0x89: {  	[tilespmem:s9], [sflag:$0x1] =	stream.linear.gather [hbm4b:s4+s3], $0x400, $0x38;
	[tilespmem:$0x18780] =	vst v63  }
0x8a: {  	s4 =	sadd.s32 $0x5B8F00, s0;
	s9 =	simm.s32 $0x3900  }
0x8b: {  	[tilespmem:s9], [sflag:$0x1] =	stream.linear.gather [hbm4b:s4+s3], $0x400, $0x38;
	[tilespmem:$0x18780] =	vst v63  }
0x8c: {  	s31 =	simm.s32 $0x4100;
	s0 =	sadd.s32 $0x6AD180, s0;
	s9 =	spop (v2sf)  }
0x8d: {  	[tilespmem:s31], [sflag:$0x1] =	stream.linear.gather [hbm4b:s0+s3], $0x400, $0x38;
	[tilespmem:$0x18780] =	vst v63  }
0x8e: {  	s0 =	sand.u32 $0xFFFFF80, s9  }
0x8f: {  	s31 =	simm.s32 $0x4900;
	s0 =	sadd.s32 s2, s0  }
0x90: {  	[tilespmem:s31], [sflag:$0x1] =	stream.linear.gather [hbm4b:s0+s3], $0x400, $0x38;
	[tilespmem:$0x18780] =	vst v63  }
0x91: {  	s9 =	simm.s32 $0x5100;
	s4 =	sadd.s32 $0xF4280, s0  }
0x92: {  	[tilespmem:s9], [sflag:$0x1] =	stream.linear.gather [hbm4b:s4+s3], $0x400, $0x38;
	[tilespmem:$0x18780] =	vst v63  }
0x93: {  	s4 =	sadd.s32 $0x1E8500, s0;
	s9 =	simm.s32 $0x5900  }
0x94: {  	[tilespmem:s9], [sflag:$0x1] =	stream.linear.gather [hbm4b:s4+s3], $0x400, $0x38;
	[tilespmem:$0x18780] =	vst v63  }
0x95: {  	s4 =	sadd.s32 $0x2DC780, s0;
	s9 =	simm.s32 $0x6100  }
0x96: {  	[tilespmem:s9], [sflag:$0x1] =	stream.linear.gather [hbm4b:s4+s3], $0x400, $0x38;
	[tilespmem:$0x18780] =	vst v63  }
0x97: {  	s4 =	sadd.s32 $0x3D0A00, s0;
	s9 =	simm.s32 $0x6900  }
0x98: {  	[tilespmem:s9], [sflag:$0x1] =	stream.linear.gather [hbm4b:s4+s3], $0x400, $0x38;
	[tilespmem:$0x18780] =	vst v63  }
0x99: {  	s4 =	sadd.s32 $0x4C4C80, s0;
	s9 =	simm.s32 $0x7100  }
0x9a: {  	[tilespmem:s9], [sflag:$0x1] =	stream.linear.gather [hbm4b:s4+s3], $0x400, $0x38;
	[tilespmem:$0x18780] =	vst v63  }
0x9b: {  	s4 =	sadd.s32 $0x5B8F00, s0;
	s9 =	simm.s32 $0x7900  }
0x9c: {  	[tilespmem:s9], [sflag:$0x1] =	stream.linear.gather [hbm4b:s4+s3], $0x400, $0x38;
	[tilespmem:$0x18780] =	vst v63  }
0x9d: {  	s0 =	sadd.s32 $0x6AD180, s0;
	s9 =	simm.s32 $0x8100  }
0x9e: {  	[tilespmem:s9], [sflag:$0x1] =	stream.linear.gather [hbm4b:s0+s3], $0x400, $0x38;
	[tilespmem:$0x18780] =	vst v63  }
0x9f: {  	v13 =	vld [tilespmem:s28+$0xFFFFFFFE];
	_ =	sdelay $0x4  }
0xa0: {  	(v2sf) =	vpush v13, $0x0;
	_ =	sdelay $0xa  }
0xa1: {  	v14 =	vld [tilespmem:s26+$0xFFFFFFFE];
	_ =	sdelay $0x3  }
0xa2: {  	s31 =	spop (v2sf)  }
0xa3: {  	(v2sf) =	vpush v14, $0x0;
	s0 =	sand.u32 $0xFFFFF80, s31  }
0xa4: {  	s0 =	sadd.s32 s1, s0  }
0xa5: {  	[tilespmem:s15], [sflag:$0x2] =	stream.linear.gather [hbm4b:s0+s3], $0x400, $0x38;
	[tilespmem:$0x18780] =	vst v63  }
0xa6: {  	s31 =	rddreg [dreg:$0x5];
	s4 =	sadd.s32 $0xF4280, s0  }
0xa7: {  	[tilespmem:s31], [sflag:$0x2] =	stream.linear.gather [hbm4b:s4+s3], $0x400, $0x38;
	[tilespmem:$0x18780] =	vst v63  }
0xa8: {  	s9 =	rddreg [dreg:$0x6];
	s4 =	sadd.s32 $0x1E8500, s0  }
0xa9: {  	[tilespmem:s9], [sflag:$0x2] =	stream.linear.gather [hbm4b:s4+s3], $0x400, $0x38;
	[tilespmem:$0x18780] =	vst v63  }
0xaa: {  	s31 =	rddreg [dreg:$0x7];
	s4 =	sadd.s32 $0x2DC780, s0  }
0xab: {  	[tilespmem:s31], [sflag:$0x2] =	stream.linear.gather [hbm4b:s4+s3], $0x400, $0x38;
	[tilespmem:$0x18780] =	vst v63  }
0xac: {  	s9 =	rddreg [dreg:$0x8];
	s4 =	sadd.s32 $0x3D0A00, s0  }
0xad: {  	[tilespmem:s9], [sflag:$0x2] =	stream.linear.gather [hbm4b:s4+s3], $0x400, $0x38;
	[tilespmem:$0x18780] =	vst v63  }
0xae: {  	s31 =	rddreg [dreg:$0x9];
	s4 =	sadd.s32 $0x4C4C80, s0  }
0xaf: {  	[tilespmem:s31], [sflag:$0x2] =	stream.linear.gather [hbm4b:s4+s3], $0x400, $0x38;
	[tilespmem:$0x18780] =	vst v63  }
0xb0: {  	s9 =	rddreg [dreg:$0xa];
	s4 =	sadd.s32 $0x5B8F00, s0  }
0xb1: {  	[tilespmem:s9], [sflag:$0x2] =	stream.linear.gather [hbm4b:s4+s3], $0x400, $0x38;
	[tilespmem:$0x18780] =	vst v63  }
0xb2: {  	s31 =	rddreg [dreg:$0xb];
	s0 =	sadd.s32 $0x6AD180, s0;
	s4 =	spop (v2sf)  }
0xb3: {  	[tilespmem:s31], [sflag:$0x2] =	stream.linear.gather [hbm4b:s0+s3], $0x400, $0x38;
	[tilespmem:$0x18780] =	vst v63  }
0xb4: {  	s0 =	sand.u32 $0xFFFFF80, s4  }
0xb5: {  	s0 =	sadd.s32 s2, s0  }
0xb6: {  	(v2sf) =	vpush v13, $0x1;
	[tilespmem:s16], [sflag:$0x2] =	stream.linear.gather [hbm4b:s0+s3], $0x400, $0x38;
	[tilespmem:$0x18780] =	vst v63  }
0xb7: {  	s4 =	rddreg [dreg:$0xc];
	s9 =	sadd.s32 $0xF4280, s0  }
0xb8: {  	[tilespmem:s4], [sflag:$0x2] =	stream.linear.gather [hbm4b:s9+s3], $0x400, $0x38;
	[tilespmem:$0x18780] =	vst v63  }
0xb9: {  	s31 =	rddreg [dreg:$0xd];
	s4 =	sadd.s32 $0x1E8500, s0  }
0xba: {  	[tilespmem:s31], [sflag:$0x2] =	stream.linear.gather [hbm4b:s4+s3], $0x400, $0x38;
	[tilespmem:$0x18780] =	vst v63  }
0xbb: {  	s9 =	rddreg [dreg:$0xe];
	s4 =	sadd.s32 $0x2DC780, s0  }
0xbc: {  	[tilespmem:s9], [sflag:$0x2] =	stream.linear.gather [hbm4b:s4+s3], $0x400, $0x38;
	[tilespmem:$0x18780] =	vst v63  }
0xbd: {  	s31 =	rddreg [dreg:$0xf];
	s4 =	sadd.s32 $0x3D0A00, s0  }
0xbe: {  	[tilespmem:s31], [sflag:$0x2] =	stream.linear.gather [hbm4b:s4+s3], $0x400, $0x38;
	[tilespmem:$0x18780] =	vst v63  }
0xbf: {  	s9 =	rddreg [dreg:$0x10];
	s4 =	sadd.s32 $0x4C4C80, s0  }
0xc0: {  	[tilespmem:s9], [sflag:$0x2] =	stream.linear.gather [hbm4b:s4+s3], $0x400, $0x38;
	[tilespmem:$0x18780] =	vst v63  }
0xc1: {  	s31 =	rddreg [dreg:$0x11];
	s4 =	sadd.s32 $0x5B8F00, s0  }
0xc2: {  	[tilespmem:s31], [sflag:$0x2] =	stream.linear.gather [hbm4b:s4+s3], $0x400, $0x38;
	[tilespmem:$0x18780] =	vst v63  }
0xc3: {  	s9 =	rddreg [dreg:$0x12];
	s0 =	sadd.s32 $0x6AD180, s0  }
0xc4: {  	[tilespmem:s9], [sflag:$0x2] =	stream.linear.gather [hbm4b:s0+s3], $0x400, $0x38;
	[tilespmem:$0x18780] =	vst v63  }
0xc5: {  	s9 =	spop (v2sf)  }
0xc6: {  	s0 =	sand.u32 $0xFFFFF80, s9  }
0xc7: {  	s31 =	rddreg [dreg:$0x13];
	s0 =	sadd.s32 s1, s0  }
0xc8: {  	(v2sf) =	vpush v14, $0x1;
	[tilespmem:s31], [sflag:$0x2] =	stream.linear.gather [hbm4b:s0+s3], $0x400, $0x38;
	[tilespmem:$0x18780] =	vst v63  }
0xc9: {  	s9 =	rddreg [dreg:$0x14];
	s4 =	sadd.s32 $0xF4280, s0  }
0xca: {  	[tilespmem:s9], [sflag:$0x2] =	stream.linear.gather [hbm4b:s4+s3], $0x400, $0x38;
	[tilespmem:$0x18780] =	vst v63  }
0xcb: {  	s31 =	rddreg [dreg:$0x15];
	s4 =	sadd.s32 $0x1E8500, s0  }
0xcc: {  	[tilespmem:s31], [sflag:$0x2] =	stream.linear.gather [hbm4b:s4+s3], $0x400, $0x38;
	[tilespmem:$0x18780] =	vst v63  }
0xcd: {  	s9 =	rddreg [dreg:$0x16];
	s4 =	sadd.s32 $0x2DC780, s0  }
0xce: {  	[tilespmem:s9], [sflag:$0x2] =	stream.linear.gather [hbm4b:s4+s3], $0x400, $0x38;
	[tilespmem:$0x18780] =	vst v63  }
0xcf: {  	s31 =	rddreg [dreg:$0x17];
	s4 =	sadd.s32 $0x3D0A00, s0  }
0xd0: {  	[tilespmem:s31], [sflag:$0x2] =	stream.linear.gather [hbm4b:s4+s3], $0x400, $0x38;
	[tilespmem:$0x18780] =	vst v63  }
0xd1: {  	s9 =	rddreg [dreg:$0x18];
	s4 =	sadd.s32 $0x4C4C80, s0  }
0xd2: {  	[tilespmem:s9], [sflag:$0x2] =	stream.linear.gather [hbm4b:s4+s3], $0x400, $0x38;
	[tilespmem:$0x18780] =	vst v63  }
0xd3: {  	s31 =	rddreg [dreg:$0x19];
	s4 =	sadd.s32 $0x5B8F00, s0  }
0xd4: {  	[tilespmem:s31], [sflag:$0x2] =	stream.linear.gather [hbm4b:s4+s3], $0x400, $0x38;
	[tilespmem:$0x18780] =	vst v63  }
0xd5: {  	s9 =	rddreg [dreg:$0x1a];
	s0 =	sadd.s32 $0x6AD180, s0  }
0xd6: {  	[tilespmem:s9], [sflag:$0x2] =	stream.linear.gather [hbm4b:s0+s3], $0x400, $0x38;
	[tilespmem:$0x18780] =	vst v63  }
0xd7: {  	s9 =	spop (v2sf)  }
0xd8: {  	s31 =	rddreg [dreg:$0x1b];
	s0 =	sand.u32 $0xFFFFF80, s9  }
0xd9: {  	s9 =	rddreg [dreg:$0x1c];
	s0 =	sadd.s32 s2, s0  }
0xda: {  	[tilespmem:s31], [sflag:$0x2] =	stream.linear.gather [hbm4b:s0+s3], $0x400, $0x38;
	[tilespmem:$0x18780] =	vst v63  }
0xdb: {  	s4 =	sadd.s32 $0xF4280, s0;
	s31 =	rddreg [dreg:$0x1d]  }
0xdc: {  	[tilespmem:s9], [sflag:$0x2] =	stream.linear.gather [hbm4b:s4+s3], $0x400, $0x38;
	[tilespmem:$0x18780] =	vst v63  }
0xdd: {  	s4 =	sadd.s32 $0x1E8500, s0;
	s9 =	rddreg [dreg:$0x1e]  }
0xde: {  	[tilespmem:s31], [sflag:$0x2] =	stream.linear.gather [hbm4b:s4+s3], $0x400, $0x38;
	[tilespmem:$0x18780] =	vst v63  }
0xdf: {  	s4 =	sadd.s32 $0x2DC780, s0;
	s31 =	rddreg [dreg:$0x1f]  }
0xe0: {  	[tilespmem:s9], [sflag:$0x2] =	stream.linear.gather [hbm4b:s4+s3], $0x400, $0x38;
	[tilespmem:$0x18780] =	vst v63  }
0xe1: {  	s4 =	sadd.s32 $0x3D0A00, s0;
	s9 =	sld [smem:$0x7D9]  }
0xe2: {  	[tilespmem:s31], [sflag:$0x2] =	stream.linear.gather [hbm4b:s4+s3], $0x400, $0x38;
	[tilespmem:$0x18780] =	vst v63  }
0xe3: {  	s4 =	sadd.s32 $0x4C4C80, s0;
	s31 =	sld [smem:$0x7DA]  }
0xe4: {  	[tilespmem:s9], [sflag:$0x2] =	stream.linear.gather [hbm4b:s4+s3], $0x400, $0x38;
	[tilespmem:$0x18780] =	vst v63  }
0xe5: {  	s4 =	sadd.s32 $0x5B8F00, s0;
	s9 =	sld [smem:$0x7DB]  }
0xe6: {  	[tilespmem:s31], [sflag:$0x2] =	stream.linear.gather [hbm4b:s4+s3], $0x400, $0x38;
	[tilespmem:$0x18780] =	vst v63  }
0xe7: {  	s0 =	sadd.s32 $0x6AD180, s0  }
0xe8: {  	[tilespmem:s9], [sflag:$0x2] =	stream.linear.gather [hbm4b:s0+s3], $0x400, $0x38;
	[tilespmem:$0x18780] =	vst v63  }
0xe9: {  	v13 =	vld [tilespmem:s28+$0x0];
	_ =	sdelay $0x4  }
0xea: {  	(v2sf) =	vpush v13, $0x0;
	_ =	sdelay $0xa  }
0xeb: {  	v14 =	vld [tilespmem:s26+$0x0];
	_ =	sdelay $0x3  }
0xec: {  	s31 =	spop (v2sf)  }
0xed: {  	(v2sf) =	vpush v14, $0x0;
	s0 =	sand.u32 $0xFFFFF80, s31  }
0xee: {  	s4 =	sld [smem:$0x7DC];
	s0 =	sadd.s32 s1, s0  }
0xef: {  	[tilespmem:s17], [sflag:$0x3] =	stream.linear.gather [hbm4b:s0+s3], $0x400, $0x38;
	[tilespmem:$0x18780] =	vst v63  }
0xf0: {  	s31 =	sld [smem:$0x7DD];
	s9 =	sadd.s32 $0xF4280, s0  }
0xf1: {  	[tilespmem:s4], [sflag:$0x3] =	stream.linear.gather [hbm4b:s9+s3], $0x400, $0x38;
	[tilespmem:$0x18780] =	vst v63  }
0xf2: {  	s4 =	sadd.s32 $0x1E8500, s0;
	s9 =	sld [smem:$0x7DE]  }
0xf3: {  	[tilespmem:s31], [sflag:$0x3] =	stream.linear.gather [hbm4b:s4+s3], $0x400, $0x38;
	[tilespmem:$0x18780] =	vst v63  }
0xf4: {  	s4 =	sadd.s32 $0x2DC780, s0;
	s31 =	sld [smem:$0x7DF]  }
0xf5: {  	[tilespmem:s9], [sflag:$0x3] =	stream.linear.gather [hbm4b:s4+s3], $0x400, $0x38;
	[tilespmem:$0x18780] =	vst v63  }
0xf6: {  	s4 =	sadd.s32 $0x3D0A00, s0;
	s9 =	sld [smem:$0x7E0]  }
0xf7: {  	[tilespmem:s31], [sflag:$0x3] =	stream.linear.gather [hbm4b:s4+s3], $0x400, $0x38;
	[tilespmem:$0x18780] =	vst v63  }
0xf8: {  	s4 =	sadd.s32 $0x4C4C80, s0;
	s31 =	sld [smem:$0x7E1]  }
0xf9: {  	[tilespmem:s9], [sflag:$0x3] =	stream.linear.gather [hbm4b:s4+s3], $0x400, $0x38;
	[tilespmem:$0x18780] =	vst v63  }
0xfa: {  	s4 =	sadd.s32 $0x5B8F00, s0;
	s9 =	sld [smem:$0x7E2]  }
0xfb: {  	[tilespmem:s31], [sflag:$0x3] =	stream.linear.gather [hbm4b:s4+s3], $0x400, $0x38;
	[tilespmem:$0x18780] =	vst v63  }
0xfc: {  	s0 =	sadd.s32 $0x6AD180, s0;
	s4 =	spop (v2sf)  }
0xfd: {  	[tilespmem:s9], [sflag:$0x3] =	stream.linear.gather [hbm4b:s0+s3], $0x400, $0x38;
	[tilespmem:$0x18780] =	vst v63  }
0xfe: {  	s0 =	sand.u32 $0xFFFFF80, s4  }
0xff: {  	s4 =	sld [smem:$0x7E3];
	s0 =	sadd.s32 s2, s0  }
0x100: {  	(v2sf) =	vpush v13, $0x1;
	[tilespmem:s19], [sflag:$0x3] =	stream.linear.gather [hbm4b:s0+s3], $0x400, $0x38;
	[tilespmem:$0x18780] =	vst v63  }
0x101: {  	s31 =	sld [smem:$0x7E4];
	s9 =	sadd.s32 $0xF4280, s0  }
0x102: {  	[tilespmem:s4], [sflag:$0x3] =	stream.linear.gather [hbm4b:s9+s3], $0x400, $0x38;
	[tilespmem:$0x18780] =	vst v63  }
0x103: {  	s4 =	sadd.s32 $0x1E8500, s0;
	s9 =	sld [smem:$0x7E5]  }
0x104: {  	[tilespmem:s31], [sflag:$0x3] =	stream.linear.gather [hbm4b:s4+s3], $0x400, $0x38;
	[tilespmem:$0x18780] =	vst v63  }
0x105: {  	s4 =	sadd.s32 $0x2DC780, s0;
	s31 =	sld [smem:$0x7E7]  }
0x106: {  	[tilespmem:s9], [sflag:$0x3] =	stream.linear.gather [hbm4b:s4+s3], $0x400, $0x38;
	[tilespmem:$0x18780] =	vst v63  }
0x107: {  	s4 =	sadd.s32 $0x3D0A00, s0;
	s9 =	sld [smem:$0x7E9]  }
0x108: {  	[tilespmem:s31], [sflag:$0x3] =	stream.linear.gather [hbm4b:s4+s3], $0x400, $0x38;
	[tilespmem:$0x18780] =	vst v63  }
0x109: {  	s4 =	sadd.s32 $0x4C4C80, s0;
	s31 =	sld [smem:$0x7EA]  }
0x10a: {  	[tilespmem:s9], [sflag:$0x3] =	stream.linear.gather [hbm4b:s4+s3], $0x400, $0x38;
	[tilespmem:$0x18780] =	vst v63  }
0x10b: {  	s4 =	sadd.s32 $0x5B8F00, s0;
	s9 =	sld [smem:$0x7EC]  }
0x10c: {  	[tilespmem:s31], [sflag:$0x3] =	stream.linear.gather [hbm4b:s4+s3], $0x400, $0x38;
	[tilespmem:$0x18780] =	vst v63  }
0x10d: {  	s0 =	sadd.s32 $0x6AD180, s0  }
0x10e: {  	[tilespmem:s9], [sflag:$0x3] =	stream.linear.gather [hbm4b:s0+s3], $0x400, $0x38;
	[tilespmem:$0x18780] =	vst v63  }
0x10f: {  	s31 =	sld [smem:$0x7ED];
	s9 =	spop (v2sf)  }
0x110: {  	s0 =	sand.u32 $0xFFFFF80, s9  }
0x111: {  	s9 =	sld [smem:$0x7EE];
	s0 =	sadd.s32 s1, s0  }
0x112: {  	(v2sf) =	vpush v14, $0x1;
	[tilespmem:s31], [sflag:$0x3] =	stream.linear.gather [hbm4b:s0+s3], $0x400, $0x38;
	[tilespmem:$0x18780] =	vst v63  }
0x113: {  	s4 =	sadd.s32 $0xF4280, s0;
	s31 =	sld [smem:$0x7EF]  }
0x114: {  	[tilespmem:s9], [sflag:$0x3] =	stream.linear.gather [hbm4b:s4+s3], $0x400, $0x38;
	[tilespmem:$0x18780] =	vst v63  }
0x115: {  	s4 =	sadd.s32 $0x1E8500, s0;
	s9 =	sld [smem:$0x7F0]  }
0x116: {  	[tilespmem:s31], [sflag:$0x3] =	stream.linear.gather [hbm4b:s4+s3], $0x400, $0x38;
	[tilespmem:$0x18780] =	vst v63  }
0x117: {  	s4 =	sadd.s32 $0x2DC780, s0;
	s31 =	sld [smem:$0x7F1]  }
0x118: {  	[tilespmem:s9], [sflag:$0x3] =	stream.linear.gather [hbm4b:s4+s3], $0x400, $0x38;
	[tilespmem:$0x18780] =	vst v63  }
0x119: {  	s4 =	sadd.s32 $0x3D0A00, s0;
	s9 =	sld [smem:$0x7F2]  }
0x11a: {  	[tilespmem:s31], [sflag:$0x3] =	stream.linear.gather [hbm4b:s4+s3], $0x400, $0x38;
	[tilespmem:$0x18780] =	vst v63  }
0x11b: {  	s4 =	sadd.s32 $0x4C4C80, s0;
	s31 =	sld [smem:$0x7F3]  }
0x11c: {  	[tilespmem:s9], [sflag:$0x3] =	stream.linear.gather [hbm4b:s4+s3], $0x400, $0x38;
	[tilespmem:$0x18780] =	vst v63  }
0x11d: {  	s4 =	sadd.s32 $0x5B8F00, s0;
	s9 =	sld [smem:$0x7F4]  }
0x11e: {  	[tilespmem:s31], [sflag:$0x3] =	stream.linear.gather [hbm4b:s4+s3], $0x400, $0x38;
	[tilespmem:$0x18780] =	vst v63  }
0x11f: {  	s0 =	sadd.s32 $0x6AD180, s0  }
0x120: {  	[tilespmem:s9], [sflag:$0x3] =	stream.linear.gather [hbm4b:s0+s3], $0x400, $0x38;
	[tilespmem:$0x18780] =	vst v63  }
0x121: {  	s31 =	sld [smem:$0x7F5];
	s9 =	spop (v2sf)  }
0x122: {  	s0 =	sand.u32 $0xFFFFF80, s9  }
0x123: {  	s9 =	sld [smem:$0x7F6];
	s0 =	sadd.s32 s2, s0  }
0x124: {  	[tilespmem:s31], [sflag:$0x3] =	stream.linear.gather [hbm4b:s0+s3], $0x400, $0x38;
	[tilespmem:$0x18780] =	vst v63  }
0x125: {  	s4 =	sadd.s32 $0xF4280, s0;
	s31 =	sld [smem:$0x7F7]  }
0x126: {  	[tilespmem:s9], [sflag:$0x3] =	stream.linear.gather [hbm4b:s4+s3], $0x400, $0x38;
	[tilespmem:$0x18780] =	vst v63  }
0x127: {  	s4 =	sadd.s32 $0x1E8500, s0;
	s9 =	sld [smem:$0x7F8]  }
0x128: {  	[tilespmem:s31], [sflag:$0x3] =	stream.linear.gather [hbm4b:s4+s3], $0x400, $0x38;
	[tilespmem:$0x18780] =	vst v63  }
0x129: {  	s4 =	sadd.s32 $0x2DC780, s0;
	s31 =	sld [smem:$0x7F9]  }
0x12a: {  	[tilespmem:s9], [sflag:$0x3] =	stream.linear.gather [hbm4b:s4+s3], $0x400, $0x38;
	[tilespmem:$0x18780] =	vst v63  }
0x12b: {  	s4 =	sadd.s32 $0x3D0A00, s0;
	s9 =	sld [smem:$0x7FA]  }
0x12c: {  	[tilespmem:s31], [sflag:$0x3] =	stream.linear.gather [hbm4b:s4+s3], $0x400, $0x38;
	[tilespmem:$0x18780] =	vst v63  }
0x12d: {  	s4 =	sadd.s32 $0x4C4C80, s0;
	s31 =	sld [smem:$0x7FB]  }
0x12e: {  	[tilespmem:s9], [sflag:$0x3] =	stream.linear.gather [hbm4b:s4+s3], $0x400, $0x38;
	[tilespmem:$0x18780] =	vst v63  }
0x12f: {  	s4 =	sadd.s32 $0x5B8F00, s0;
	s9 =	sld [smem:$0x7FD]  }
0x130: {  	[tilespmem:s31], [sflag:$0x3] =	stream.linear.gather [hbm4b:s4+s3], $0x400, $0x38;
	[tilespmem:$0x18780] =	vst v63  }
0x131: {  	s0 =	sadd.s32 $0x6AD180, s0  }
0x132: {  	[tilespmem:s9], [sflag:$0x3] =	stream.linear.gather [hbm4b:s0+s3], $0x400, $0x38;
	[tilespmem:$0x18780] =	vst v63  }
0x133: {  	_ =	swait.ge [sflag:s20], $0x2000  }
0x134: {  	[sflag:s20] =	ssyncset.done $0x0  }
0x135: {  	[sflag:s20] =	ssyncadd.s32 $0xFFFFE000  }
0x136: {  	_ =	swait.ge [sflag:s20], $0x2000  }
0x137: {  	[sflag:s20] =	ssyncset.done $0x0  }
0x138: {  	[sflag:s20] =	ssyncadd.s32 $0xFFFFE000  }
0x139: {  	_ =	swait.ge [sflag:s20], $0x2000  }
0x13a: {  	[sflag:s20] =	ssyncset.done $0x0  }
0x13b: {  	[sflag:s20] =	ssyncadd.s32 $0xFFFFE000  }
0x13c: {  	_ =	swait.ge [sflag:s20], $0x2000  }
0x13d: {  	[sflag:s20] =	ssyncset.done $0x0  }
0x13e: {  	[sflag:s20] =	ssyncadd.s32 $0xFFFFE000  }
0x13f: {  	v13 =	vld [tilespmem:s28+$0xFFFFFFFC];
	_ =	sdelay $0x1  }
0x140: {  	v14 =	vld [tilespmem:s26+$0xFFFFFFFC];
	_ =	sdelay $0x2  }
0x141: {  	(v2sf) =	vpush v13, $0x0  }
0x142: {  	(v2sf) =	vpush v13, $0x1  }
0x143: {  	(v2sf) =	vpush v14, $0x0  }
0x144: {  	(v2sf) =	vpush v14, $0x1;
	_ =	sdelay $0xb  }
0x145: {  	s0 =	spop (v2sf)  }
0x146: {  	s4 =	spop (v2sf)  }
0x147: {  	s9 =	spop (v2sf)  }
0x148: {  	s4 =	sand.u32 $0x7F, s4;
	s31 =	spop (v2sf)  }
0x149: {  	s0 =	sand.u32 $0x7F, s0;
	v13 =	vmov s4;
	s4 =	sand.u32 $0x7F, s31  }
0x14a: {  	v13 =	vsel vm0, s0, v13;
	s31 =	sand.u32 $0x7F, s9;
	v14 =	vmov s4  }
0x14b: {  	v15 =	vor.u32 v1, v13;
	v14 =	vsel vm0, s31, v14  }
0x14c: {  	v16 =	vor.u32 v1, v14  }
0x14d: {  	v17 =	vor.u32 v2, v13  }
0x14e: {  	v18 =	vor.u32 v2, v14  }
0x14f: {  	v19 =	vor.u32 v3, v13  }
0x150: {  	v20 =	vor.u32 v3, v14;
	v15 =	vld.idx.msk [tilespmem:v15+s10+$0x0], $0xffff  }
0x151: {  	v21 =	vor.u32 v4, v13;
	v16 =	vld.idx.msk [tilespmem:v16+s18+$0x0], $0xffff  }
0x152: {  	v22 =	vor.u32 v4, v14;
	v17 =	vld.idx.msk [tilespmem:v17+s10+$0x0], $0xffff  }
0x153: {  	v23 =	vor.u32 v5, v13;
	v18 =	vld.idx.msk [tilespmem:v18+s18+$0x0], $0xffff  }
0x154: {  	v24 =	vor.u32 v5, v14;
	v19 =	vld.idx.msk [tilespmem:v19+s10+$0x0], $0xffff  }
0x155: {  	v25 =	vor.u32 v6, v13;
	v20 =	vld.idx.msk [tilespmem:v20+s18+$0x0], $0xffff  }
0x156: {  	v43 =	vor.u32 v6, v14;
	v42 =	vld.idx.msk [tilespmem:v21+s10+$0x0], $0xffff;
	v15 =	vmul.f32 v16, v15  }
0x157: {  	v26 =	vor.u32 v7, v13;
	v22 =	vld.idx.msk [tilespmem:v22+s18+$0x0], $0xffff  }
0x158: {  	v45 =	vor.u32 v7, v14;
	v44 =	vld.idx.msk [tilespmem:v23+s10+$0x0], $0xffff;
	v17 =	vmul.f32 v18, v17;
	v15 =	vadd.f32 $0.0e+00, v15  }
0x159: {  	v13 =	vor.u32 v8, v13;
	v24 =	vld.idx.msk [tilespmem:v24+s18+$0x0], $0xffff  }
0x15a: {  	v14 =	vor.u32 v8, v14;
	v47 =	vld.idx.msk [tilespmem:v25+s10+$0x0], $0xffff;
	v46 =	vmul.f32 v20, v19;
	v15 =	vadd.f32 v17, v15  }
0x15b: {  	v48 =	vld.idx.msk [tilespmem:v43+s18+$0x0], $0xffff  }
0x15c: {  	v49 =	vld.idx.msk [tilespmem:v26+s10+$0x0], $0xffff;
	v16 =	vmul.f32 v22, v42;
	v15 =	vadd.f32 v46, v15  }
0x15d: {  	v50 =	vld.idx.msk [tilespmem:v45+s18+$0x0], $0xffff  }
0x15e: {  	v13 =	vld.idx.msk [tilespmem:v13+s10+$0x0], $0xffff;
	v51 =	vmul.f32 v24, v44;
	v15 =	vadd.f32 v16, v15  }
0x15f: {  	v14 =	vld.idx.msk [tilespmem:v14+s18+$0x0], $0xffff  }
0x160: {  	v52 =	vmul.f32 v48, v47;
	v15 =	vadd.f32 v51, v15;
	_ =	sdelay $0x1  }
0x161: {  	v53 =	vmul.f32 v50, v49;
	v15 =	vadd.f32 v52, v15;
	_ =	sdelay $0x1  }
0x162: {  	v13 =	vmul.f32 v14, v13;
	v15 =	vadd.f32 v53, v15;
	_ =	sdelay $0x1  }
0x163: {  	v13 =	vadd.f32 v13, v15;
	_ =	sdelay $0x1  }
0x164: {  	[tilespmem:$0x18500] =	vst v13  }
0x165: {  	v14 =	vld.idx.msk [tilespmem:v9+s21+$0x0], $0xffff;
	_ =	sdelay $0x4  }
0x166: {  	v13 =	vadd.f32 v14, v13;
	_ =	sdelay $0x1  }
0x167: {  	[tilespmem:$0x18500] =	vst v13  }
0x168: {  	v14 =	vld.idx.msk [tilespmem:v10+s21+$0x0], $0xffff;
	_ =	sdelay $0x4  }
0x169: {  	v13 =	vadd.f32 v14, v13;
	_ =	sdelay $0x1  }
0x16a: {  	[tilespmem:$0x18500] =	vst v13  }
0x16b: {  	v14 =	vld.idx.msk [tilespmem:v11+s21+$0x0], $0xffff;
	_ =	sdelay $0x4  }
0x16c: {  	s9 =	sand.u32 $0x7, s29;
	v13 =	vadd.f32 v14, v13  }
0x16d: {  	p0 =	seq.s32 s9, $0x0;
	s31 =	sshll.u32 s9, $0x1  }
0x16e: {  	s0 =	sshllo.u32 s9, $0x1;
	v12 =	vpsel p0, $0x0, v12;
	v14 =	vmov s31;
	v15 =	vbroadcast v13, $0x0  }
0x16f: {  	vm3 =	veq.s32 v14, v0;
	v14 =	vmov s0;
	v13 =	vbroadcast v13, $0x8  }
0x170: {  	v12 =	vsel vm3, v15, v12;
	vm3 =	veq.s32 v14, v0  }
0x171: {  	s9 =	sand.u32 $0x3F0, s30;
	v12 =	vsel vm3, v13, v12  }
0x172: {  	[tilespmem:s9+$0x18580] =	vst v12  }
0x173: {  	_ =	swait.ge [sflag:s22], $0x2000  }
0x174: {  	[sflag:s22] =	ssyncset.done $0x0  }
0x175: {  	[sflag:s22] =	ssyncadd.s32 $0xFFFFE000  }
0x176: {  	_ =	swait.ge [sflag:s22], $0x2000  }
0x177: {  	[sflag:s22] =	ssyncset.done $0x0  }
0x178: {  	[sflag:s22] =	ssyncadd.s32 $0xFFFFE000  }
0x179: {  	_ =	swait.ge [sflag:s22], $0x2000  }
0x17a: {  	[sflag:s22] =	ssyncset.done $0x0  }
0x17b: {  	[sflag:s22] =	ssyncadd.s32 $0xFFFFE000  }
0x17c: {  	_ =	swait.ge [sflag:s22], $0x2000  }
0x17d: {  	[sflag:s22] =	ssyncset.done $0x0  }
0x17e: {  	[sflag:s22] =	ssyncadd.s32 $0xFFFFE000  }
0x17f: {  	v13 =	vld [tilespmem:s28+$0xFFFFFFFE];
	_ =	sdelay $0x1  }
0x180: {  	v14 =	vld [tilespmem:s26+$0xFFFFFFFE];
	_ =	sdelay $0x2  }
0x181: {  	(v2sf) =	vpush v13, $0x0  }
0x182: {  	(v2sf) =	vpush v13, $0x1  }
0x183: {  	(v2sf) =	vpush v14, $0x0  }
0x184: {  	(v2sf) =	vpush v14, $0x1;
	_ =	sdelay $0xb  }
0x185: {  	s0 =	spop (v2sf)  }
0x186: {  	s4 =	spop (v2sf)  }
0x187: {  	s9 =	spop (v2sf)  }
0x188: {  	s4 =	sand.u32 $0x7F, s4;
	s31 =	spop (v2sf)  }
0x189: {  	s0 =	sand.u32 $0x7F, s0;
	v13 =	vmov s4;
	s4 =	sand.u32 $0x7F, s31  }
0x18a: {  	v13 =	vsel vm0, s0, v13;
	s31 =	sand.u32 $0x7F, s9;
	v14 =	vmov s4  }
0x18b: {  	v15 =	vor.u32 v1, v13;
	v14 =	vsel vm0, s31, v14  }
0x18c: {  	v54 =	vor.u32 v1, v14  }
0x18d: {  	v55 =	vor.u32 v2, v13  }
0x18e: {  	v56 =	vor.u32 v2, v14  }
0x18f: {  	v57 =	vor.u32 v3, v13  }
0x190: {  	v58 =	vor.u32 v3, v14;
	v15 =	vld.idx.msk [tilespmem:v15+s15+$0x0], $0xffff  }
0x191: {  	v59 =	vor.u32 v4, v13;
	v16 =	vld.idx.msk [tilespmem:v54+s16+$0x0], $0xffff  }
0x192: {  	v60 =	vor.u32 v4, v14;
	v17 =	vld.idx.msk [tilespmem:v55+s15+$0x0], $0xffff  }
0x193: {  	v61 =	vor.u32 v5, v13;
	v18 =	vld.idx.msk [tilespmem:v56+s16+$0x0], $0xffff  }
0x194: {  	v62 =	vor.u32 v5, v14;
	v19 =	vld.idx.msk [tilespmem:v57+s15+$0x0], $0xffff  }
0x195: {  	v63 =	vor.u32 v6, v13;
	v20 =	vld.idx.msk [tilespmem:v58+s16+$0x0], $0xffff  }
0x196: {  	v29 =	vor.u32 v6, v14;
	v28 =	vld.idx.msk [tilespmem:v59+s15+$0x0], $0xffff;
	v15 =	vmul.f32 v16, v15  }
0x197: {  	v30 =	vor.u32 v7, v13;
	v22 =	vld.idx.msk [tilespmem:v60+s16+$0x0], $0xffff  }
0x198: {  	v32 =	vor.u32 v7, v14;
	v31 =	vld.idx.msk [tilespmem:v61+s15+$0x0], $0xffff;
	v17 =	vmul.f32 v18, v17;
	v15 =	vadd.f32 $0.0e+00, v15  }
0x199: {  	v13 =	vor.u32 v8, v13;
	v24 =	vld.idx.msk [tilespmem:v62+s16+$0x0], $0xffff  }
0x19a: {  	v14 =	vor.u32 v8, v14;
	v34 =	vld.idx.msk [tilespmem:v63+s15+$0x0], $0xffff;
	v33 =	vmul.f32 v20, v19;
	v15 =	vadd.f32 v17, v15  }
0x19b: {  	v35 =	vld.idx.msk [tilespmem:v29+s16+$0x0], $0xffff  }
0x19c: {  	v36 =	vld.idx.msk [tilespmem:v30+s15+$0x0], $0xffff;
	v16 =	vmul.f32 v22, v28;
	v15 =	vadd.f32 v33, v15  }
0x19d: {  	v37 =	vld.idx.msk [tilespmem:v32+s16+$0x0], $0xffff  }
0x19e: {  	v13 =	vld.idx.msk [tilespmem:v13+s15+$0x0], $0xffff;
	v38 =	vmul.f32 v24, v31;
	v15 =	vadd.f32 v16, v15  }
0x19f: {  	v14 =	vld.idx.msk [tilespmem:v14+s16+$0x0], $0xffff  }
0x1a0: {  	v39 =	vmul.f32 v35, v34;
	v15 =	vadd.f32 v38, v15;
	_ =	sdelay $0x1  }
0x1a1: {  	v40 =	vmul.f32 v37, v36;
	v15 =	vadd.f32 v39, v15;
	_ =	sdelay $0x1  }
0x1a2: {  	v13 =	vmul.f32 v14, v13;
	v15 =	vadd.f32 v40, v15;
	_ =	sdelay $0x1  }
0x1a3: {  	v13 =	vadd.f32 v13, v15;
	_ =	sdelay $0x1  }
0x1a4: {  	[tilespmem:$0x18500] =	vst v13  }
0x1a5: {  	v14 =	vld.idx.msk [tilespmem:v9+s21+$0x0], $0xffff;
	_ =	sdelay $0x4  }
0x1a6: {  	v13 =	vadd.f32 v14, v13;
	_ =	sdelay $0x1  }
0x1a7: {  	[tilespmem:$0x18500] =	vst v13  }
0x1a8: {  	v14 =	vld.idx.msk [tilespmem:v10+s21+$0x0], $0xffff;
	_ =	sdelay $0x4  }
0x1a9: {  	v13 =	vadd.f32 v14, v13;
	_ =	sdelay $0x1  }
0x1aa: {  	[tilespmem:$0x18500] =	vst v13  }
0x1ab: {  	v14 =	vld.idx.msk [tilespmem:v11+s21+$0x0], $0xffff;
	_ =	sdelay $0x3  }
0x1ac: {  	s9 =	sadd.s32 $0x1, s29  }
0x1ad: {  	s0 =	sand.u32 $0x7, s9;
	v13 =	vadd.f32 v14, v13  }
0x1ae: {  	p5 =	seq.s32 s0, $0x0;
	s31 =	sshll.u32 s0, $0x1  }
0x1af: {  	s0 =	sshllo.u32 s0, $0x1;
	v12 =	vpsel p5, $0x0, v12;
	v14 =	vmov s31;
	v15 =	vbroadcast v13, $0x0  }
0x1b0: {  	vm3 =	veq.s32 v14, v0;
	v14 =	vmov s0;
	v13 =	vbroadcast v13, $0x8  }
0x1b1: {  	s9 =	sadd.s32 $0x2, s30;
	v12 =	vsel vm3, v15, v12;
	vm3 =	veq.s32 v14, v0  }
0x1b2: {  	s0 =	sand.u32 $0x7F0, s9;
	v12 =	vsel vm3, v13, v12  }
0x1b3: {  	[tilespmem:s0+$0x18580] =	vst v12  }
0x1b4: {  	_ =	swait.ge [sflag:s24], $0x2000  }
0x1b5: {  	[sflag:s24] =	ssyncset.done $0x0  }
0x1b6: {  	[sflag:s24] =	ssyncadd.s32 $0xFFFFE000  }
0x1b7: {  	_ =	swait.ge [sflag:s24], $0x2000  }
0x1b8: {  	[sflag:s24] =	ssyncset.done $0x0  }
0x1b9: {  	[sflag:s24] =	ssyncadd.s32 $0xFFFFE000  }
0x1ba: {  	_ =	swait.ge [sflag:s24], $0x2000  }
0x1bb: {  	[sflag:s24] =	ssyncset.done $0x0  }
0x1bc: {  	[sflag:s24] =	ssyncadd.s32 $0xFFFFE000  }
0x1bd: {  	_ =	swait.ge [sflag:s24], $0x2000  }
0x1be: {  	[sflag:s24] =	ssyncset.done $0x0  }
0x1bf: {  	[sflag:s24] =	ssyncadd.s32 $0xFFFFE000  }
0x1c0: {  	v13 =	vld [tilespmem:s28+$0x0];
	_ =	sdelay $0x1  }
0x1c1: {  	v14 =	vld [tilespmem:s26+$0x0];
	_ =	sdelay $0x2  }
0x1c2: {  	(v2sf) =	vpush v13, $0x0  }
0x1c3: {  	(v2sf) =	vpush v13, $0x1  }
0x1c4: {  	(v2sf) =	vpush v14, $0x0  }
0x1c5: {  	(v2sf) =	vpush v14, $0x1;
	_ =	sdelay $0xb  }
0x1c6: {  	s0 =	spop (v2sf)  }
0x1c7: {  	s4 =	spop (v2sf)  }
0x1c8: {  	s9 =	spop (v2sf)  }
0x1c9: {  	s4 =	sand.u32 $0x7F, s4;
	s31 =	spop (v2sf)  }
0x1ca: {  	s0 =	sand.u32 $0x7F, s0;
	v13 =	vmov s4;
	s4 =	sand.u32 $0x7F, s31  }
0x1cb: {  	v13 =	vsel vm0, s0, v13;
	s31 =	sand.u32 $0x7F, s9;
	v14 =	vmov s4  }
0x1cc: {  	v15 =	vor.u32 v1, v13;
	v14 =	vsel vm0, s31, v14  }
0x1cd: {  	v41 =	vor.u32 v1, v14  }
0x1ce: {  	v42 =	vor.u32 v2, v13  }
0x1cf: {  	v43 =	vor.u32 v2, v14  }
0x1d0: {  	v44 =	vor.u32 v3, v13  }
0x1d1: {  	v45 =	vor.u32 v3, v14;
	v15 =	vld.idx.msk [tilespmem:v15+s17+$0x0], $0xffff  }
0x1d2: {  	v46 =	vor.u32 v4, v13;
	v16 =	vld.idx.msk [tilespmem:v41+s19+$0x0], $0xffff  }
0x1d3: {  	v47 =	vor.u32 v4, v14;
	v17 =	vld.idx.msk [tilespmem:v42+s17+$0x0], $0xffff  }
0x1d4: {  	v48 =	vor.u32 v5, v13;
	v18 =	vld.idx.msk [tilespmem:v43+s19+$0x0], $0xffff  }
0x1d5: {  	v49 =	vor.u32 v5, v14;
	v19 =	vld.idx.msk [tilespmem:v44+s17+$0x0], $0xffff  }
0x1d6: {  	v50 =	vor.u32 v6, v13;
	v20 =	vld.idx.msk [tilespmem:v45+s19+$0x0], $0xffff  }
0x1d7: {  	v52 =	vor.u32 v6, v14;
	v51 =	vld.idx.msk [tilespmem:v46+s17+$0x0], $0xffff;
	v15 =	vmul.f32 v16, v15  }
0x1d8: {  	v53 =	vor.u32 v7, v13;
	v22 =	vld.idx.msk [tilespmem:v47+s19+$0x0], $0xffff  }
0x1d9: {  	v55 =	vor.u32 v7, v14;
	v54 =	vld.idx.msk [tilespmem:v48+s17+$0x0], $0xffff;
	v17 =	vmul.f32 v18, v17;
	v15 =	vadd.f32 $0.0e+00, v15  }
0x1da: {  	v13 =	vor.u32 v8, v13;
	v24 =	vld.idx.msk [tilespmem:v49+s19+$0x0], $0xffff  }
0x1db: {  	v14 =	vor.u32 v8, v14;
	v57 =	vld.idx.msk [tilespmem:v50+s17+$0x0], $0xffff;
	v56 =	vmul.f32 v20, v19;
	v15 =	vadd.f32 v17, v15  }
0x1dc: {  	v58 =	vld.idx.msk [tilespmem:v52+s19+$0x0], $0xffff  }
0x1dd: {  	v59 =	vld.idx.msk [tilespmem:v53+s17+$0x0], $0xffff;
	v16 =	vmul.f32 v22, v51;
	v15 =	vadd.f32 v56, v15  }
0x1de: {  	v60 =	vld.idx.msk [tilespmem:v55+s19+$0x0], $0xffff  }
0x1df: {  	v13 =	vld.idx.msk [tilespmem:v13+s17+$0x0], $0xffff;
	v61 =	vmul.f32 v24, v54;
	v15 =	vadd.f32 v16, v15  }
0x1e0: {  	v14 =	vld.idx.msk [tilespmem:v14+s19+$0x0], $0xffff  }
0x1e1: {  	v62 =	vmul.f32 v58, v57;
	v15 =	vadd.f32 v61, v15;
	_ =	sdelay $0x1  }
0x1e2: {  	v63 =	vmul.f32 v60, v59;
	v15 =	vadd.f32 v62, v15;
	_ =	sdelay $0x1  }
0x1e3: {  	v13 =	vmul.f32 v14, v13;
	v15 =	vadd.f32 v63, v15;
	_ =	sdelay $0x1  }
0x1e4: {  	v13 =	vadd.f32 v13, v15;
	_ =	sdelay $0x1  }
0x1e5: {  	[tilespmem:$0x18500] =	vst v13  }
0x1e6: {  	v14 =	vld.idx.msk [tilespmem:v9+s21+$0x0], $0xffff;
	_ =	sdelay $0x4  }
0x1e7: {  	v13 =	vadd.f32 v14, v13;
	_ =	sdelay $0x1  }
0x1e8: {  	[tilespmem:$0x18500] =	vst v13  }
0x1e9: {  	v14 =	vld.idx.msk [tilespmem:v10+s21+$0x0], $0xffff;
	_ =	sdelay $0x4  }
0x1ea: {  	v13 =	vadd.f32 v14, v13;
	_ =	sdelay $0x1  }
0x1eb: {  	[tilespmem:$0x18500] =	vst v13  }
0x1ec: {  	v14 =	vld.idx.msk [tilespmem:v11+s21+$0x0], $0xffff;
	_ =	sdelay $0x3  }
0x1ed: {  	s4 =	sadd.s32 $0x2, s29  }
0x1ee: {  	s0 =	sand.u32 $0x7, s4;
	v13 =	vadd.f32 v14, v13  }
0x1ef: {  	p0 =	sne.s32 s30, $0x1F8;
	p6 =	seq.s32 s0, $0x0;
	s9 =	sshll.u32 s0, $0x1  }
.Ltmp0:
0x1f0: {  	s0 =	sshllo.u32 s0, $0x1;
	v12 =	vpsel p6, $0x0, v12;
	v14 =	vmov s9;
	v15 =	vbroadcast v13, $0x0;
	(pc) =	sbr.rel @p0 .LBB2_2-.Ltmp0, $4  }
0x1f1: {  	vm3 =	veq.s32 v14, v0;
	v14 =	vmov s0;
	v13 =	vbroadcast v13, $0x8  }
0x1f2: {  	s31 =	sadd.s32 $0x4, s30;
	v12 =	vsel vm3, v15, v12;
	vm3 =	veq.s32 v14, v0  }
0x1f3: {  	s28 =	sadd.s32 $0x6, s28;
	s0 =	sand.u32 $0x7F0, s31;
	v12 =	vsel vm3, v13, v12  }
0x1f4: {  	s26 =	sadd.s32 $0x6, s26;
	s29 =	sadd.s32 $0x3, s29;
	s30 =	sadd.s32 $0x6, s30;
	[tilespmem:s0+$0x18580] =	vst v12  }
0x1f5: {  	v13 =	vld [tilespmem:$0x1FE];
	_ =	sdelay $0x4  }
0x1f6: {  	(v2sf) =	vpush v13, $0x0;
	_ =	sdelay $0xa  }
0x1f7: {  	v14 =	vld [tilespmem:$0x47E];
	_ =	sdelay $0x3  }
0x1f8: {  	s0 =	spop (v2sf)  }
0x1f9: {  	(v2sf) =	vpush v14, $0x0;
	s0 =	sand.u32 $0xFFFFF80, s0  }
0x1fa: {  	s0 =	sadd.s32 s1, s0  }
0x1fb: {  	[tilespmem:s10], [sflag:$0x1] =	stream.linear.gather [hbm4b:s0+s3], $0x400, $0x38;
	[tilespmem:$0x18780] =	vst v63  }
0x1fc: {  	s4 =	sadd.s32 $0xF4280, s0  }
0x1fd: {  	[tilespmem:s8], [sflag:$0x1] =	stream.linear.gather [hbm4b:s4+s3], $0x400, $0x38;
	[tilespmem:$0x18780] =	vst v63  }
0x1fe: {  	s31 =	sadd.s32 $0x1E8500, s0  }
0x1ff: {  	[tilespmem:s5], [sflag:$0x1] =	stream.linear.gather [hbm4b:s31+s3], $0x400, $0x38;
	[tilespmem:$0x18780] =	vst v63  }
0x200: {  	s5 =	sadd.s32 $0x2DC780, s0  }
0x201: {  	[tilespmem:s6], [sflag:$0x1] =	stream.linear.gather [hbm4b:s5+s3], $0x400, $0x38;
	[tilespmem:$0x18780] =	vst v63  }
0x202: {  	s9 =	sadd.s32 $0x3D0A00, s0  }
0x203: {  	[tilespmem:s7], [sflag:$0x1] =	stream.linear.gather [hbm4b:s9+s3], $0x400, $0x38;
	[tilespmem:$0x18780] =	vst v63  }
0x204: {  	s26 =	sadd.s32 $0x4C4C80, s0  }
0x205: {  	[tilespmem:s25], [sflag:$0x1] =	stream.linear.gather [hbm4b:s26+s3], $0x400, $0x38;
	[tilespmem:$0x18780] =	vst v63  }
0x206: {  	s28 =	sadd.s32 $0x5B8F00, s0  }
0x207: {  	[tilespmem:s23], [sflag:$0x1] =	stream.linear.gather [hbm4b:s28+s3], $0x400, $0x38;
	[tilespmem:$0x18780] =	vst v63  }
0x208: {  	s29 =	spop (v2sf);
	s0 =	sadd.s32 $0x6AD180, s0  }
0x209: {  	[tilespmem:s11], [sflag:$0x1] =	stream.linear.gather [hbm4b:s0+s3], $0x400, $0x38;
	[tilespmem:$0x18780] =	vst v63  }
0x20a: {  	(v2sf) =	vpush v13, $0x1;
	s0 =	sand.u32 $0xFFFFF80, s29  }
0x20b: {  	s0 =	sadd.s32 s2, s0  }
0x20c: {  	[tilespmem:s18], [sflag:$0x1] =	stream.linear.gather [hbm4b:s0+s3], $0x400, $0x38;
	[tilespmem:$0x18780] =	vst v63  }
0x20d: {  	s30 =	sadd.s32 $0xF4280, s0  }
0x20e: {  	[tilespmem:s12], [sflag:$0x1] =	stream.linear.gather [hbm4b:s30+s3], $0x400, $0x38;
	[tilespmem:$0x18780] =	vst v63  }
0x20f: {  	s31 =	sadd.s32 $0x1E8500, s0  }
0x210: {  	[tilespmem:s13], [sflag:$0x1] =	stream.linear.gather [hbm4b:s31+s3], $0x400, $0x38;
	[tilespmem:$0x18780] =	vst v63  }
0x211: {  	s5 =	sadd.s32 $0x2DC780, s0  }
0x212: {  	[tilespmem:s14], [sflag:$0x1] =	stream.linear.gather [hbm4b:s5+s3], $0x400, $0x38;
	[tilespmem:$0x18780] =	vst v63  }
0x213: {  	s9 =	simm.s32 $0x6500;
	s6 =	sadd.s32 $0x3D0A00, s0  }
0x214: {  	[tilespmem:s9], [sflag:$0x1] =	stream.linear.gather [hbm4b:s6+s3], $0x400, $0x38;
	[tilespmem:$0x18780] =	vst v63  }
0x215: {  	s28 =	simm.s32 $0x6D00;
	s26 =	sadd.s32 $0x4C4C80, s0  }
0x216: {  	[tilespmem:s28], [sflag:$0x1] =	stream.linear.gather [hbm4b:s26+s3], $0x400, $0x38;
	[tilespmem:$0x18780] =	vst v63  }
0x217: {  	s29 =	sadd.s32 $0x5B8F00, s0;
	s30 =	simm.s32 $0x7500  }
0x218: {  	[tilespmem:s30], [sflag:$0x1] =	stream.linear.gather [hbm4b:s29+s3], $0x400, $0x38;
	[tilespmem:$0x18780] =	vst v63  }
0x219: {  	s0 =	sadd.s32 $0x6AD180, s0;
	s31 =	simm.s32 $0x7D00;
	s5 =	spop (v2sf)  }
0x21a: {  	[tilespmem:s31], [sflag:$0x1] =	stream.linear.gather [hbm4b:s0+s3], $0x400, $0x38;
	[tilespmem:$0x18780] =	vst v63  }
0x21b: {  	(v2sf) =	vpush v14, $0x1;
	s0 =	sand.u32 $0xFFFFF80, s5  }
0x21c: {  	s6 =	simm.s32 $0x900;
	s0 =	sadd.s32 s1, s0  }
0x21d: {  	[tilespmem:s6], [sflag:$0x1] =	stream.linear.gather [hbm4b:s0+s3], $0x400, $0x38;
	[tilespmem:$0x18780] =	vst v63  }
0x21e: {  	s26 =	simm.s32 $0x1100;
	s9 =	sadd.s32 $0xF4280, s0  }
0x21f: {  	[tilespmem:s26], [sflag:$0x1] =	stream.linear.gather [hbm4b:s9+s3], $0x400, $0x38;
	[tilespmem:$0x18780] =	vst v63  }
0x220: {  	s29 =	simm.s32 $0x1900;
	s28 =	sadd.s32 $0x1E8500, s0  }
0x221: {  	[tilespmem:s29], [sflag:$0x1] =	stream.linear.gather [hbm4b:s28+s3], $0x400, $0x38;
	[tilespmem:$0x18780] =	vst v63  }
0x222: {  	s31 =	simm.s32 $0x2100;
	s30 =	sadd.s32 $0x2DC780, s0  }
0x223: {  	[tilespmem:s31], [sflag:$0x1] =	stream.linear.gather [hbm4b:s30+s3], $0x400, $0x38;
	[tilespmem:$0x18780] =	vst v63  }
0x224: {  	s6 =	sadd.s32 $0x3D0A00, s0;
	s9 =	simm.s32 $0x2900  }
0x225: {  	[tilespmem:s9], [sflag:$0x1] =	stream.linear.gather [hbm4b:s6+s3], $0x400, $0x38;
	[tilespmem:$0x18780] =	vst v63  }
0x226: {  	s26 =	sadd.s32 $0x4C4C80, s0;
	s28 =	simm.s32 $0x3100  }
0x227: {  	[tilespmem:s28], [sflag:$0x1] =	stream.linear.gather [hbm4b:s26+s3], $0x400, $0x38;
	[tilespmem:$0x18780] =	vst v63  }
0x228: {  	s29 =	sadd.s32 $0x5B8F00, s0;
	s30 =	simm.s32 $0x3900  }
0x229: {  	[tilespmem:s30], [sflag:$0x1] =	stream.linear.gather [hbm4b:s29+s3], $0x400, $0x38;
	[tilespmem:$0x18780] =	vst v63  }
0x22a: {  	s5 =	spop (v2sf);
	s0 =	sadd.s32 $0x6AD180, s0;
	s31 =	simm.s32 $0x4100  }
0x22b: {  	[tilespmem:s31], [sflag:$0x1] =	stream.linear.gather [hbm4b:s0+s3], $0x400, $0x38;
	[tilespmem:$0x18780] =	vst v63  }
0x22c: {  	s0 =	sand.u32 $0xFFFFF80, s5  }
0x22d: {  	s6 =	simm.s32 $0x4900;
	s0 =	sadd.s32 s2, s0  }
0x22e: {  	[tilespmem:s6], [sflag:$0x1] =	stream.linear.gather [hbm4b:s0+s3], $0x400, $0x38;
	[tilespmem:$0x18780] =	vst v63  }
0x22f: {  	s26 =	simm.s32 $0x5100;
	s9 =	sadd.s32 $0xF4280, s0  }
0x230: {  	[tilespmem:s26], [sflag:$0x1] =	stream.linear.gather [hbm4b:s9+s3], $0x400, $0x38;
	[tilespmem:$0x18780] =	vst v63  }
0x231: {  	s29 =	simm.s32 $0x5900;
	s28 =	sadd.s32 $0x1E8500, s0  }
0x232: {  	[tilespmem:s29], [sflag:$0x1] =	stream.linear.gather [hbm4b:s28+s3], $0x400, $0x38;
	[tilespmem:$0x18780] =	vst v63  }
0x233: {  	s31 =	simm.s32 $0x6100;
	s30 =	sadd.s32 $0x2DC780, s0  }
0x234: {  	[tilespmem:s31], [sflag:$0x1] =	stream.linear.gather [hbm4b:s30+s3], $0x400, $0x38;
	[tilespmem:$0x18780] =	vst v63  }
0x235: {  	s5 =	sadd.s32 $0x3D0A00, s0;
	s6 =	simm.s32 $0x6900  }
0x236: {  	[tilespmem:s6], [sflag:$0x1] =	stream.linear.gather [hbm4b:s5+s3], $0x400, $0x38;
	[tilespmem:$0x18780] =	vst v63  }
0x237: {  	s9 =	sadd.s32 $0x4C4C80, s0;
	s26 =	simm.s32 $0x7100  }
0x238: {  	[tilespmem:s26], [sflag:$0x1] =	stream.linear.gather [hbm4b:s9+s3], $0x400, $0x38;
	[tilespmem:$0x18780] =	vst v63  }
0x239: {  	s28 =	sadd.s32 $0x5B8F00, s0;
	s29 =	simm.s32 $0x7900  }
0x23a: {  	[tilespmem:s29], [sflag:$0x1] =	stream.linear.gather [hbm4b:s28+s3], $0x400, $0x38;
	[tilespmem:$0x18780] =	vst v63  }
0x23b: {  	s0 =	sadd.s32 $0x6AD180, s0;
	s30 =	simm.s32 $0x8100  }
0x23c: {  	[tilespmem:s30], [sflag:$0x1] =	stream.linear.gather [hbm4b:s0+s3], $0x400, $0x38;
	[tilespmem:$0x18780] =	vst v63  }
0x23d: {  	_ =	swait.ge [sflag:s20], $0x2000  }
0x23e: {  	[sflag:s20] =	ssyncset.done $0x0  }
0x23f: {  	[sflag:s20] =	ssyncadd.s32 $0xFFFFE000  }
0x240: {  	_ =	swait.ge [sflag:s20], $0x2000  }
0x241: {  	[sflag:s20] =	ssyncset.done $0x0  }
0x242: {  	[sflag:s20] =	ssyncadd.s32 $0xFFFFE000  }
0x243: {  	_ =	swait.ge [sflag:s20], $0x2000  }
0x244: {  	[sflag:s20] =	ssyncset.done $0x0  }
0x245: {  	[sflag:s20] =	ssyncadd.s32 $0xFFFFE000  }
0x246: {  	_ =	swait.ge [sflag:s20], $0x2000  }
0x247: {  	[sflag:s20] =	ssyncset.done $0x0  }
0x248: {  	[sflag:s20] =	ssyncadd.s32 $0xFFFFE000  }
0x249: {  	v45 =	vld [tilespmem:$0x1FE];
	_ =	sdelay $0x1  }
0x24a: {  	v46 =	vld [tilespmem:$0x47E];
	_ =	sdelay $0x2  }
0x24b: {  	(v2sf) =	vpush v45, $0x0  }
0x24c: {  	(v2sf) =	vpush v45, $0x1  }
0x24d: {  	(v2sf) =	vpush v46, $0x0  }
0x24e: {  	(v2sf) =	vpush v46, $0x1;
	_ =	sdelay $0xb  }
0x24f: {  	s31 =	spop (v2sf)  }
0x250: {  	s5 =	spop (v2sf)  }
0x251: {  	s9 =	spop (v2sf)  }
0x252: {  	s4 =	sand.u32 $0x7F, s5;
	s26 =	spop (v2sf)  }
0x253: {  	s0 =	sand.u32 $0x7F, s31;
	v47 =	vmov s4;
	s6 =	sand.u32 $0x7F, s26  }
0x254: {  	v13 =	vsel vm0, s0, v47;
	s26 =	sand.u32 $0x7F, s9;
	v48 =	vmov s6  }
0x255: {  	v15 =	vor.u32 v1, v13;
	v14 =	vsel vm0, s26, v48  }
0x256: {  	v16 =	vor.u32 v1, v14  }
0x257: {  	v17 =	vor.u32 v2, v13  }
0x258: {  	v18 =	vor.u32 v2, v14  }
0x259: {  	v19 =	vor.u32 v3, v13  }
0x25a: {  	v20 =	vor.u32 v3, v14;
	v15 =	vld.idx.msk [tilespmem:v15+s10+$0x0], $0xffff  }
0x25b: {  	v21 =	vor.u32 v4, v13;
	v16 =	vld.idx.msk [tilespmem:v16+s18+$0x0], $0xffff  }
0x25c: {  	v22 =	vor.u32 v4, v14;
	v17 =	vld.idx.msk [tilespmem:v17+s10+$0x0], $0xffff  }
0x25d: {  	v23 =	vor.u32 v5, v13;
	v18 =	vld.idx.msk [tilespmem:v18+s18+$0x0], $0xffff  }
0x25e: {  	v24 =	vor.u32 v5, v14;
	v19 =	vld.idx.msk [tilespmem:v19+s10+$0x0], $0xffff  }
0x25f: {  	v25 =	vor.u32 v6, v13;
	v20 =	vld.idx.msk [tilespmem:v20+s18+$0x0], $0xffff  }
0x260: {  	v50 =	vor.u32 v6, v14;
	v49 =	vld.idx.msk [tilespmem:v21+s10+$0x0], $0xffff;
	v15 =	vmul.f32 v16, v15  }
0x261: {  	v26 =	vor.u32 v7, v13;
	v22 =	vld.idx.msk [tilespmem:v22+s18+$0x0], $0xffff  }
0x262: {  	v52 =	vor.u32 v7, v14;
	v51 =	vld.idx.msk [tilespmem:v23+s10+$0x0], $0xffff;
	v17 =	vmul.f32 v18, v17;
	v15 =	vadd.f32 $0.0e+00, v15  }
0x263: {  	v13 =	vor.u32 v8, v13;
	v24 =	vld.idx.msk [tilespmem:v24+s18+$0x0], $0xffff  }
0x264: {  	v14 =	vor.u32 v8, v14;
	v54 =	vld.idx.msk [tilespmem:v25+s10+$0x0], $0xffff;
	v53 =	vmul.f32 v20, v19;
	v15 =	vadd.f32 v17, v15  }
0x265: {  	v55 =	vld.idx.msk [tilespmem:v50+s18+$0x0], $0xffff  }
0x266: {  	v56 =	vld.idx.msk [tilespmem:v26+s10+$0x0], $0xffff;
	v16 =	vmul.f32 v22, v49;
	v15 =	vadd.f32 v53, v15  }
0x267: {  	v57 =	vld.idx.msk [tilespmem:v52+s18+$0x0], $0xffff  }
0x268: {  	v13 =	vld.idx.msk [tilespmem:v13+s10+$0x0], $0xffff;
	v58 =	vmul.f32 v24, v51;
	v15 =	vadd.f32 v16, v15  }
0x269: {  	v14 =	vld.idx.msk [tilespmem:v14+s18+$0x0], $0xffff  }
0x26a: {  	v59 =	vmul.f32 v55, v54;
	v15 =	vadd.f32 v58, v15;
	_ =	sdelay $0x1  }
0x26b: {  	v60 =	vmul.f32 v57, v56;
	v15 =	vadd.f32 v59, v15;
	_ =	sdelay $0x1  }
0x26c: {  	v13 =	vmul.f32 v14, v13;
	v15 =	vadd.f32 v60, v15;
	_ =	sdelay $0x1  }
0x26d: {  	v13 =	vadd.f32 v13, v15;
	_ =	sdelay $0x1  }
0x26e: {  	[tilespmem:$0x18500] =	vst v13  }
0x26f: {  	v61 =	vld.idx.msk [tilespmem:v9+s21+$0x0], $0xffff;
	_ =	sdelay $0x4  }
0x270: {  	v13 =	vadd.f32 v61, v13;
	_ =	sdelay $0x1  }
0x271: {  	[tilespmem:$0x18500] =	vst v13  }
0x272: {  	v62 =	vld.idx.msk [tilespmem:v10+s21+$0x0], $0xffff;
	_ =	sdelay $0x4  }
0x273: {  	v13 =	vadd.f32 v62, v13;
	_ =	sdelay $0x1  }
0x274: {  	[tilespmem:$0x18500] =	vst v13  }
0x275: {  	v63 =	vld.idx.msk [tilespmem:v11+s21+$0x0], $0xffff;
	_ =	sdelay $0x4  }
0x276: {  	v13 =	vadd.f32 v63, v13;
	_ =	sdelay $0x1  }
0x277: {  	v14 =	vbroadcast v13, $0x0  }
0x278: {  	v13 =	vbroadcast v13, $0x8  }
0x279: {  	s28 =	sld [smem:$0x7EB];
	v12 =	vsel vm1, v14, v12  }
0x27a: {  	v12 =	vsel vm2, v12, v13  }
0x27b: {  	s29 =	simm.s32 $0x18580;
	s6 =	simm.s32 $0x4;
	[tilespmem:$0x18770] =	vst v12  }
0x27c: {  	[hbm4b:s28+s3] =	stream.linear.scatter [tilespmem:s29], [sflag:$0x4], $0x200, $0x38;
	[tilespmem:$0x18780] =	vst v63  }
0x27d: {  	_ =	swait.ge [sflag:s6], $0x200  }
0x27e: {  	s30 =	sld [smem:$0x7D8]  }
0x27f: {  	s31 =	sld [smem:$0x7FC];
	_ =	sdelay $0x1  }
0x280: {  	s4 =	sadd.s32 $0x1, s30  }
0x281: {  	p0 =	sne.s32 s4, s31  }
.Ltmp1:
0x282: {  	_ = 	snop;
	(pc) =	sbr.rel @p0 .LBB2_1-.Ltmp1, $3  }
0x283: {  	_ =	sdelay $0x1  }
0x284: {  	[sflag:s6] =	ssyncset.done $0x0  }
0x285: {  	[sflag:s6] =	ssyncadd.s32 $0xFFFFFE00  }
0x286: {  	_ =	sfence.sel $0x180000  }
0x287: {  	[bflag:$0x0] =	sbarrier.arrive $0xFFFF  }
0x288: {  	_ =	strace $0x90000047  }
0x289: {  	s0 =	stileid.u32;
	[bflag:$0x2] =	sbarrier.arrive $0xFFFF  }
0x28a: {  	p0 =	sne.s32 s0, $0x0;
	s0 =	rddreg [dreg:$0x4]  }
0x28b: {  	s0 =	sadd.s32 @!p0 $0x100000, s0  }
0x28c: {  	[sflag:s0] =	ssyncadd.tile.s32 @!p0 $0x1;
	_ =	shalt  }
.Lfunc_end2:
_tile_overlayer_lowered:
.L_overlay_start_2:
0x28d: {  	(tag) =	ssettag $0x2  }
0x28e: {  	s0 =	rddreg [dreg:$0x0];
	s2 =	stileid.u32  }
0x28f: {  	s1 =	rddreg [dreg:$0x1];
	p0 =	sne.s32 s2, $0x0  }
0x290: {  	s3 =	rddreg [dreg:$0x2];
	[bflag:$0x3] =	sbarrier.arrive $0xFFFF;
	s2 =	simm.s32 @!p0 $0x1C04  }
0x291: {  	[timem:s3], [sflag:s2] =	dma.local @!p0 [hbm:s0], s1  }
0x292: {  	s0 =	simm.s32 @!p0 $0x4  }
0x293: {  	_ =	swait.ge @!p0 [sflag:s0], s1  }
0x294: {  	s1 =	ssub.s32 @!p0 $0x0, s1;
	[sflag:s0] =	ssyncset.done @!p0 $0x0  }
0x295: {  	[sflag:s0] =	ssyncadd.s32 @!p0 s1  }
0x296: {  	[bflag:$0x3] =	sbarrier.arrive $0xFFFF  }
0x297: {  	_ =	shalt  }

</sc_bundles>
